<compile_context>
chip_gen: v7x
topology: tpu7x:2x2x1
jax: 0.10.2.dev20260603
libtpu: 0.0.44.dev20260713+nightly
codegen_flags: <defaults>
</compile_context>

<pallas_src>
import functools

import jax
import jax.numpy as jnp
from jax import lax
from jax.experimental import pallas as pl
from jax.experimental.pallas import tpu as pltpu
from jax.experimental.pallas import tpu_sc as plsc

L = 16
NC = 2
NS = 16
NW = NC * NS
B = 16384
D = 64
V = 100000
CH = 4096
NCHK = B // CH
UN = 4


def _sc_body(feat_hbm, lab_hbm, centers_hbm, out_hbm,
             row_v, f0_v, f1_v, lab_v, acc_v, rsem, fsem, lsem):
    wid = lax.axis_index("s") * NC + lax.axis_index("c")

    centers3 = centers_hbm.reshape(D // 8, 8, V)
    feat3 = feat_hbm.reshape(D // 8, 8, B)
    fbufs = (f0_v, f1_v)

    def row_copy(d):
        return [pltpu.async_copy(centers3.at[d // 8, d % 8], row_v, rsem)]

    def feat_copy(d, c, buf):
        return pltpu.async_copy(
            feat3.at[d // 8, d % 8, pl.ds(c * CH, CH)], fbufs[buf], fsem)

    def chunk_compute(cbase, buf, acc):
        fb = fbufs[buf]

        @plsc.parallel_loop(0, CH // (UN * L), unroll=2, carry=tuple(acc))
        def step(i, accs):
            acc = list(accs)
            for u in range(UN):
                idx = lab_v[pl.ds(cbase + (UN * i + u) * L, L)]
                f = fb[pl.ds((UN * i + u) * L, L)]
                c = plsc.load_gather(row_v, [idx])
                dd = f - c
                acc[u] = acc[u] + dd * dd
            return tuple(acc)

        return step

    d1, d2 = wid, wid + NW
    rcopies = row_copy(d1)
    lcopy = pltpu.async_copy(lab_hbm, lab_v, lsem)
    fcopy = feat_copy(d1, 0, 0)
    lcopy.wait()

    zero = jnp.zeros((L,), jnp.float32)
    acc = (zero,) * UN
    for k, d in enumerate((d1, d2)):
        for rc in rcopies:
            rc.wait()
        for c in range(NCHK):
            nxt_fcopy = None
            if c + 1 < NCHK:
                nxt_fcopy = feat_copy(d, c + 1, (c + 1) % 2)
            elif k == 0:
                nxt_fcopy = feat_copy(d2, 0, (c + 1) % 2)
            fcopy.wait()
            acc = chunk_compute(c * CH, c % 2, acc)
            if c == NCHK - 1 and k == 0:
                rcopies = row_copy(d2)
            fcopy = nxt_fcopy

    t = [acc[2 * j] + acc[2 * j + 1] for j in range(UN // 2)]
    while len(t) > 1:
        t = [t[2 * j] + t[2 * j + 1] for j in range(len(t) // 2)]
    acc_v[...] = t[0]
    pltpu.sync_copy(acc_v, out_hbm.at[pl.ds(wid * L, L)])


@functools.partial(
    pl.kernel,
    out_type=jax.ShapeDtypeStruct((NW * L,), jnp.float32),
    mesh=plsc.VectorSubcoreMesh(core_axis_name="c", subcore_axis_name="s"),
    compiler_params=pltpu.CompilerParams(use_tc_tiling_on_sc=True,
                                        needs_layout_passes=False),
    scratch_types=[
        pltpu.VMEM((V,), jnp.float32),
        pltpu.VMEM((CH,), jnp.float32),
        pltpu.VMEM((CH,), jnp.float32),
        pltpu.VMEM((B,), jnp.int32),
        pltpu.VMEM((L,), jnp.float32),
        pltpu.SemaphoreType.DMA,
        pltpu.SemaphoreType.DMA,
        pltpu.SemaphoreType.DMA,
    ],
)
def _centerloss_partials(feat_hbm, lab_hbm, centers_hbm, out_hbm,
                         row_v, f0_v, f1_v, lab_v, acc_v, rsem, fsem, lsem):
    _sc_body(feat_hbm, lab_hbm, centers_hbm, out_hbm,
             row_v, f0_v, f1_v, lab_v, acc_v, rsem, fsem, lsem)


def kernel(feature, label, centers, batch_size):
    partials = _centerloss_partials(feature.T, label.astype(jnp.int32),
                                    centers.T)
    return jnp.sum(partials) / 2.0 / batch_size

# --- scband reference (transcript-rebuilt; emitter-appended) ---
"""Pipeline reference for scband-centerloss-func-48369921687703 (READ-ONLY COPY).

The authoritative reference and input builder live on the scoring server;
editing this copy changes nothing except your own understanding.
"""

import jax, jax.numpy as jnp
import numpy as np

def setup_inputs(seed: int = 0) -> dict:
    key = jax.random.key(seed)
    k1, k2, k3 = jax.random.split(key, 3)
    feature = jax.random.normal(k1, (16384, 64), dtype=jnp.float32)
    label = jax.random.randint(k2, (16384,), 0, 100000, dtype=jnp.int64) if jax.config.jax_enable_x64 else jax.random.randint(k2, (16384,), 0, 100000).astype(jnp.int32)
    centers = jax.random.normal(k3, (100000, 64), dtype=jnp.float32)
    return {"feature": feature, "label": label, "centers": centers, "batch_size": 16384}

def reference(feature, label, centers, batch_size):
    # centers_batch = centers.index_select(0, label)
    centers_batch = jnp.take(centers, label, axis=0)
    loss = jnp.sum(jnp.square(feature - centers_batch)) / 2.0 / batch_size
    return loss

if __name__ == "__main__":
    import jax
    _d = setup_inputs()
    print(jax.jit(kernel)(*tuple(_d.values())))

</pallas_src>

<mosaic_0001>
#map = affine_map<(d0, d1) -> (0, 0)>
#map1 = affine_map<(d0, d1) -> (0)>
module attributes {stable_mosaic.version = 14 : i64} {
  func.func @_centerloss_partials(%arg0: i32, %arg1: i32, %arg2: memref<64x16384xf32, #tpu.memory_space<hbm>>, %arg3: memref<16384xi32, #tpu.memory_space<hbm>>, %arg4: memref<64x100000xf32, #tpu.memory_space<hbm>>, %arg5: memref<512xf32, #tpu.memory_space<hbm>>, %arg6: memref<100000xf32, #tpu.memory_space<vmem>>, %arg7: memref<4096xf32, #tpu.memory_space<vmem>>, %arg8: memref<4096xf32, #tpu.memory_space<vmem>>, %arg9: memref<16384xi32, #tpu.memory_space<vmem>>, %arg10: memref<16xf32, #tpu.memory_space<vmem>>, %arg11: memref<!tpu.dma_semaphore, #tpu.memory_space<semaphore_mem>>, %arg12: memref<!tpu.dma_semaphore, #tpu.memory_space<semaphore_mem>>, %arg13: memref<!tpu.dma_semaphore, #tpu.memory_space<semaphore_mem>>) attributes {dimension_semantics = [#tpu.dimension_semantics<core_parallel>, #tpu.dimension_semantics<subcore_parallel>], iteration_bounds = array<i64: 2, 16>, scalar_prefetch = 0 : i64, scratch_operands = 8 : i64, tpu.core_type = #tpu.core_type<sc_vector_subcore>, window_params = [{transform_indices = #map}, {transform_indices = #map1}, {transform_indices = #map}, {transform_indices = #map1}]} {
    %mul3A = arith.constant 2 : i32
    %mul3A_0 = arith.muli %arg1, %mul3A : i32
    %add3A = arith.addi %mul3A_0, %arg0 : i32
    %add3A_1 = arith.constant 32 : i32
    %add3A_2 = arith.addi %add3A, %add3A_1 : i32
    %jit3A = arith.constant 8 : i32
    %div3A = arith.divsi %add3A, %jit3A : i32
    %sign3A = arith.constant 0 : i32
    %sign3A_3 = arith.cmpi sgt, %add3A, %sign3A : i32
    %sign3A_4 = arith.extui %sign3A_3 : i1 to i32
    %sign3A_5 = arith.constant 0 : i32
    %sign3A_6 = arith.cmpi slt, %add3A, %sign3A_5 : i32
    %sign3A_7 = arith.extui %sign3A_6 : i1 to i32
    %sign3A_8 = arith.subi %sign3A_4, %sign3A_7 : i32
    %sign3A_9 = arith.constant 0 : i32
    %sign3A_10 = arith.cmpi sgt, %jit3A, %sign3A_9 : i32
    %sign3A_11 = arith.extui %sign3A_10 : i1 to i32
    %sign3A_12 = arith.constant 0 : i32
    %sign3A_13 = arith.cmpi slt, %jit3A, %sign3A_12 : i32
    %sign3A_14 = arith.extui %sign3A_13 : i1 to i32
    %sign3A_15 = arith.subi %sign3A_11, %sign3A_14 : i32
    %ne3A = arith.cmpi ne, %sign3A_8, %sign3A_15 : i32
    %rem3A = arith.remsi %add3A, %jit3A : i32
    %ne3A_16 = arith.constant 0 : i32
    %ne3A_17 = arith.cmpi ne, %rem3A, %ne3A_16 : i32
    %and3A = arith.andi %ne3A, %ne3A_17 : i1
    %sub3A = arith.constant 1 : i32
    %sub3A_18 = arith.subi %div3A, %sub3A : i32
    %select_n3A = arith.select %and3A, %sub3A_18, %div3A : i32
    %jit3A_19 = arith.constant 8 : i32
    %eq3A = arith.constant 0 : i32
    %eq3A_20 = arith.cmpi eq, %jit3A_19, %eq3A : i32
    %jit3A_21 = arith.constant 1 : i32
    %select_n3A_22 = arith.select %eq3A_20, %jit3A_21, %jit3A_19 : i32
    %rem3A_23 = arith.remsi %add3A, %select_n3A_22 : i32
    %ne3A_24 = arith.constant 0 : i32
    %ne3A_25 = arith.cmpi ne, %rem3A_23, %ne3A_24 : i32
    %lt3A = arith.constant 0 : i32
    %lt3A_26 = arith.cmpi slt, %rem3A_23, %lt3A : i32
    %lt3A_27 = arith.constant 0 : i32
    %lt3A_28 = arith.cmpi slt, %select_n3A_22, %lt3A_27 : i32
    %ne3A_29 = arith.xori %lt3A_26, %lt3A_28 : i1
    %and3A_30 = arith.andi %ne3A_29, %ne3A_25 : i1
    %add3A_31 = arith.addi %rem3A_23, %select_n3A_22 : i32
    %select_n3A_32 = arith.select %and3A_30, %add3A_31, %rem3A_23 : i32
    %dma_start3A = tpu.memref_reshape %arg4 : memref<64x100000xf32, #tpu.memory_space<hbm>> -> memref<8x8x100000xf32, #tpu.memory_space<hbm>>
    %dma_start3A_33 = arith.constant 0 : i32
    %dma_start3A_34 = tpu.memref_slice %dma_start3A[%select_n3A, %select_n3A_32, %dma_start3A_33] : memref<8x8x100000xf32, #tpu.memory_space<hbm>> -> memref<1x1x100000xf32, #tpu.memory_space<hbm>>
    %dma_start3A_35 = tpu.memref_squeeze %dma_start3A_34 : memref<1x1x100000xf32, #tpu.memory_space<hbm>> -> memref<100000xf32, #tpu.memory_space<hbm>>
    %dma_start3A_36 = tpu.memref_reshape %arg4 : memref<64x100000xf32, #tpu.memory_space<hbm>> -> memref<8x8x100000xf32, #tpu.memory_space<hbm>>
    %dma_start3A_37 = arith.constant 0 : i32
    %dma_start3A_38 = tpu.memref_slice %dma_start3A_36[%select_n3A, %select_n3A_32, %dma_start3A_37] : memref<8x8x100000xf32, #tpu.memory_space<hbm>> -> memref<1x1x100000xf32, #tpu.memory_space<hbm>>
    %dma_start3A_39 = tpu.memref_squeeze %dma_start3A_38 : memref<1x1x100000xf32, #tpu.memory_space<hbm>> -> memref<100000xf32, #tpu.memory_space<hbm>>
    tpu.enqueue_dma source(%dma_start3A_39 : memref<100000xf32, #tpu.memory_space<hbm>>) target(%arg6 : memref<100000xf32, #tpu.memory_space<vmem>>) target_semaphore(%arg11 : memref<!tpu.dma_semaphore, #tpu.memory_space<semaphore_mem>>)
    tpu.enqueue_dma source(%arg3 : memref<16384xi32, #tpu.memory_space<hbm>>) target(%arg9 : memref<16384xi32, #tpu.memory_space<vmem>>) target_semaphore(%arg13 : memref<!tpu.dma_semaphore, #tpu.memory_space<semaphore_mem>>)
    %jit3A_40 = arith.constant 8 : i32
    %div3A_41 = arith.divsi %add3A, %jit3A_40 : i32
    %sign3A_42 = arith.constant 0 : i32
    %sign3A_43 = arith.cmpi sgt, %add3A, %sign3A_42 : i32
    %sign3A_44 = arith.extui %sign3A_43 : i1 to i32
    %sign3A_45 = arith.constant 0 : i32
    %sign3A_46 = arith.cmpi slt, %add3A, %sign3A_45 : i32
    %sign3A_47 = arith.extui %sign3A_46 : i1 to i32
    %sign3A_48 = arith.subi %sign3A_44, %sign3A_47 : i32
    %sign3A_49 = arith.constant 0 : i32
    %sign3A_50 = arith.cmpi sgt, %jit3A_40, %sign3A_49 : i32
    %sign3A_51 = arith.extui %sign3A_50 : i1 to i32
    %sign3A_52 = arith.constant 0 : i32
    %sign3A_53 = arith.cmpi slt, %jit3A_40, %sign3A_52 : i32
    %sign3A_54 = arith.extui %sign3A_53 : i1 to i32
    %sign3A_55 = arith.subi %sign3A_51, %sign3A_54 : i32
    %ne3A_56 = arith.cmpi ne, %sign3A_48, %sign3A_55 : i32
    %rem3A_57 = arith.remsi %add3A, %jit3A_40 : i32
    %ne3A_58 = arith.constant 0 : i32
    %ne3A_59 = arith.cmpi ne, %rem3A_57, %ne3A_58 : i32
    %and3A_60 = arith.andi %ne3A_56, %ne3A_59 : i1
    %sub3A_61 = arith.constant 1 : i32
    %sub3A_62 = arith.subi %div3A_41, %sub3A_61 : i32
    %select_n3A_63 = arith.select %and3A_60, %sub3A_62, %div3A_41 : i32
    %jit3A_64 = arith.constant 8 : i32
    %eq3A_65 = arith.constant 0 : i32
    %eq3A_66 = arith.cmpi eq, %jit3A_64, %eq3A_65 : i32
    %jit3A_67 = arith.constant 1 : i32
    %select_n3A_68 = arith.select %eq3A_66, %jit3A_67, %jit3A_64 : i32
    %rem3A_69 = arith.remsi %add3A, %select_n3A_68 : i32
    %ne3A_70 = arith.constant 0 : i32
    %ne3A_71 = arith.cmpi ne, %rem3A_69, %ne3A_70 : i32
    %lt3A_72 = arith.constant 0 : i32
    %lt3A_73 = arith.cmpi slt, %rem3A_69, %lt3A_72 : i32
    %lt3A_74 = arith.constant 0 : i32
    %lt3A_75 = arith.cmpi slt, %select_n3A_68, %lt3A_74 : i32
    %ne3A_76 = arith.xori %lt3A_73, %lt3A_75 : i1
    %and3A_77 = arith.andi %ne3A_76, %ne3A_71 : i1
    %add3A_78 = arith.addi %rem3A_69, %select_n3A_68 : i32
    %select_n3A_79 = arith.select %and3A_77, %add3A_78, %rem3A_69 : i32
    %dma_start3A_80 = tpu.memref_reshape %arg2 : memref<64x16384xf32, #tpu.memory_space<hbm>> -> memref<8x8x16384xf32, #tpu.memory_space<hbm>>
    %dma_start3A_81 = arith.constant 0 : i32
    %dma_start3A_82 = tpu.memref_slice %dma_start3A_80[%select_n3A_63, %select_n3A_79, %dma_start3A_81] : memref<8x8x16384xf32, #tpu.memory_space<hbm>> -> memref<1x1x4096xf32, #tpu.memory_space<hbm>>
    %dma_start3A_83 = tpu.memref_squeeze %dma_start3A_82 : memref<1x1x4096xf32, #tpu.memory_space<hbm>> -> memref<4096xf32, #tpu.memory_space<hbm>>
    %dma_start3A_84 = tpu.memref_reshape %arg2 : memref<64x16384xf32, #tpu.memory_space<hbm>> -> memref<8x8x16384xf32, #tpu.memory_space<hbm>>
    %dma_start3A_85 = arith.constant 0 : i32
    %dma_start3A_86 = tpu.memref_slice %dma_start3A_84[%select_n3A_63, %select_n3A_79, %dma_start3A_85] : memref<8x8x16384xf32, #tpu.memory_space<hbm>> -> memref<1x1x4096xf32, #tpu.memory_space<hbm>>
    %dma_start3A_87 = tpu.memref_squeeze %dma_start3A_86 : memref<1x1x4096xf32, #tpu.memory_space<hbm>> -> memref<4096xf32, #tpu.memory_space<hbm>>
    tpu.enqueue_dma source(%dma_start3A_87 : memref<4096xf32, #tpu.memory_space<hbm>>) target(%arg7 : memref<4096xf32, #tpu.memory_space<vmem>>) target_semaphore(%arg12 : memref<!tpu.dma_semaphore, #tpu.memory_space<semaphore_mem>>)
    tpu.wait_dma2 semaphore(%arg13 : memref<!tpu.dma_semaphore, #tpu.memory_space<semaphore_mem>>) src(%arg3 : memref<16384xi32, #tpu.memory_space<hbm>>) dst(%arg9 : memref<16384xi32, #tpu.memory_space<vmem>>)
    %broadcast_in_dim3A = arith.constant 0.000000e+00 : f32
    %broadcast_in_dim3A_88 = vector.broadcast %broadcast_in_dim3A : f32 to vector<16xf32>
    %dma_wait3A = tpu.memref_reshape %arg4 : memref<64x100000xf32, #tpu.memory_space<hbm>> -> memref<8x8x100000xf32, #tpu.memory_space<hbm>>
    %dma_wait3A_89 = arith.constant 0 : i32
    %dma_wait3A_90 = tpu.memref_slice %dma_wait3A[%select_n3A, %select_n3A_32, %dma_wait3A_89] : memref<8x8x100000xf32, #tpu.memory_space<hbm>> -> memref<1x1x100000xf32, #tpu.memory_space<hbm>>
    %dma_wait3A_91 = tpu.memref_squeeze %dma_wait3A_90 : memref<1x1x100000xf32, #tpu.memory_space<hbm>> -> memref<100000xf32, #tpu.memory_space<hbm>>
    %dma_wait3A_92 = tpu.memref_reshape %arg4 : memref<64x100000xf32, #tpu.memory_space<hbm>> -> memref<8x8x100000xf32, #tpu.memory_space<hbm>>
    %dma_wait3A_93 = arith.constant 0 : i32
    %dma_wait3A_94 = tpu.memref_slice %dma_wait3A_92[%select_n3A, %select_n3A_32, %dma_wait3A_93] : memref<8x8x100000xf32, #tpu.memory_space<hbm>> -> memref<1x1x100000xf32, #tpu.memory_space<hbm>>
    %dma_wait3A_95 = tpu.memref_squeeze %dma_wait3A_94 : memref<1x1x100000xf32, #tpu.memory_space<hbm>> -> memref<100000xf32, #tpu.memory_space<hbm>>
    tpu.wait_dma2 semaphore(%arg11 : memref<!tpu.dma_semaphore, #tpu.memory_space<semaphore_mem>>) src(%dma_wait3A_95 : memref<100000xf32, #tpu.memory_space<hbm>>) dst(%arg6 : memref<100000xf32, #tpu.memory_space<vmem>>)
    %jit3A_96 = arith.constant 8 : i32
    %div3A_97 = arith.divsi %add3A, %jit3A_96 : i32
    %sign3A_98 = arith.constant 0 : i32
    %sign3A_99 = arith.cmpi sgt, %add3A, %sign3A_98 : i32
    %sign3A_100 = arith.extui %sign3A_99 : i1 to i32
    %sign3A_101 = arith.constant 0 : i32
    %sign3A_102 = arith.cmpi slt, %add3A, %sign3A_101 : i32
    %sign3A_103 = arith.extui %sign3A_102 : i1 to i32
    %sign3A_104 = arith.subi %sign3A_100, %sign3A_103 : i32
    %sign3A_105 = arith.constant 0 : i32
    %sign3A_106 = arith.cmpi sgt, %jit3A_96, %sign3A_105 : i32
    %sign3A_107 = arith.extui %sign3A_106 : i1 to i32
    %sign3A_108 = arith.constant 0 : i32
    %sign3A_109 = arith.cmpi slt, %jit3A_96, %sign3A_108 : i32
    %sign3A_110 = arith.extui %sign3A_109 : i1 to i32
    %sign3A_111 = arith.subi %sign3A_107, %sign3A_110 : i32
    %ne3A_112 = arith.cmpi ne, %sign3A_104, %sign3A_111 : i32
    %rem3A_113 = arith.remsi %add3A, %jit3A_96 : i32
    %ne3A_114 = arith.constant 0 : i32
    %ne3A_115 = arith.cmpi ne, %rem3A_113, %ne3A_114 : i32
    %and3A_116 = arith.andi %ne3A_112, %ne3A_115 : i1
    %sub3A_117 = arith.constant 1 : i32
    %sub3A_118 = arith.subi %div3A_97, %sub3A_117 : i32
    %select_n3A_119 = arith.select %and3A_116, %sub3A_118, %div3A_97 : i32
    %jit3A_120 = arith.constant 8 : i32
    %eq3A_121 = arith.constant 0 : i32
    %eq3A_122 = arith.cmpi eq, %jit3A_120, %eq3A_121 : i32
    %jit3A_123 = arith.constant 1 : i32
    %select_n3A_124 = arith.select %eq3A_122, %jit3A_123, %jit3A_120 : i32
    %rem3A_125 = arith.remsi %add3A, %select_n3A_124 : i32
    %ne3A_126 = arith.constant 0 : i32
    %ne3A_127 = arith.cmpi ne, %rem3A_125, %ne3A_126 : i32
    %lt3A_128 = arith.constant 0 : i32
    %lt3A_129 = arith.cmpi slt, %rem3A_125, %lt3A_128 : i32
    %lt3A_130 = arith.constant 0 : i32
    %lt3A_131 = arith.cmpi slt, %select_n3A_124, %lt3A_130 : i32
    %ne3A_132 = arith.xori %lt3A_129, %lt3A_131 : i1
    %and3A_133 = arith.andi %ne3A_132, %ne3A_127 : i1
    %add3A_134 = arith.addi %rem3A_125, %select_n3A_124 : i32
    %select_n3A_135 = arith.select %and3A_133, %add3A_134, %rem3A_125 : i32
    %dma_start3A_136 = tpu.memref_reshape %arg2 : memref<64x16384xf32, #tpu.memory_space<hbm>> -> memref<8x8x16384xf32, #tpu.memory_space<hbm>>
    %dma_start3A_137 = arith.constant 4096 : i32
    %dma_start3A_138 = tpu.memref_slice %dma_start3A_136[%select_n3A_119, %select_n3A_135, %dma_start3A_137] : memref<8x8x16384xf32, #tpu.memory_space<hbm>> -> memref<1x1x4096xf32, #tpu.memory_space<hbm>>
    %dma_start3A_139 = tpu.memref_squeeze %dma_start3A_138 : memref<1x1x4096xf32, #tpu.memory_space<hbm>> -> memref<4096xf32, #tpu.memory_space<hbm>>
    %dma_start3A_140 = tpu.memref_reshape %arg2 : memref<64x16384xf32, #tpu.memory_space<hbm>> -> memref<8x8x16384xf32, #tpu.memory_space<hbm>>
    %dma_start3A_141 = arith.constant 4096 : i32
    %dma_start3A_142 = tpu.memref_slice %dma_start3A_140[%select_n3A_119, %select_n3A_135, %dma_start3A_141] : memref<8x8x16384xf32, #tpu.memory_space<hbm>> -> memref<1x1x4096xf32, #tpu.memory_space<hbm>>
    %dma_start3A_143 = tpu.memref_squeeze %dma_start3A_142 : memref<1x1x4096xf32, #tpu.memory_space<hbm>> -> memref<4096xf32, #tpu.memory_space<hbm>>
    tpu.enqueue_dma source(%dma_start3A_143 : memref<4096xf32, #tpu.memory_space<hbm>>) target(%arg8 : memref<4096xf32, #tpu.memory_space<vmem>>) target_semaphore(%arg12 : memref<!tpu.dma_semaphore, #tpu.memory_space<semaphore_mem>>)
    %dma_wait3A_144 = tpu.memref_reshape %arg2 : memref<64x16384xf32, #tpu.memory_space<hbm>> -> memref<8x8x16384xf32, #tpu.memory_space<hbm>>
    %dma_wait3A_145 = arith.constant 0 : i32
    %dma_wait3A_146 = tpu.memref_slice %dma_wait3A_144[%select_n3A_63, %select_n3A_79, %dma_wait3A_145] : memref<8x8x16384xf32, #tpu.memory_space<hbm>> -> memref<1x1x4096xf32, #tpu.memory_space<hbm>>
    %dma_wait3A_147 = tpu.memref_squeeze %dma_wait3A_146 : memref<1x1x4096xf32, #tpu.memory_space<hbm>> -> memref<4096xf32, #tpu.memory_space<hbm>>
    %dma_wait3A_148 = tpu.memref_reshape %arg2 : memref<64x16384xf32, #tpu.memory_space<hbm>> -> memref<8x8x16384xf32, #tpu.memory_space<hbm>>
    %dma_wait3A_149 = arith.constant 0 : i32
    %dma_wait3A_150 = tpu.memref_slice %dma_wait3A_148[%select_n3A_63, %select_n3A_79, %dma_wait3A_149] : memref<8x8x16384xf32, #tpu.memory_space<hbm>> -> memref<1x1x4096xf32, #tpu.memory_space<hbm>>
    %dma_wait3A_151 = tpu.memref_squeeze %dma_wait3A_150 : memref<1x1x4096xf32, #tpu.memory_space<hbm>> -> memref<4096xf32, #tpu.memory_space<hbm>>
    tpu.wait_dma2 semaphore(%arg12 : memref<!tpu.dma_semaphore, #tpu.memory_space<semaphore_mem>>) src(%dma_wait3A_151 : memref<4096xf32, #tpu.memory_space<hbm>>) dst(%arg7 : memref<4096xf32, #tpu.memory_space<vmem>>)
    %parallel_loop3A = arith.constant 0 : i32
    %parallel_loop3A_152 = arith.constant 64 : i32
    %parallel_loop3A_153 = arith.constant 1 : i32
    %parallel_loop3A_154:4 = scf.for %parallel_loop3A_589 = %parallel_loop3A to %parallel_loop3A_152 step %parallel_loop3A_153 iter_args(%parallel_loop3A_590 = %broadcast_in_dim3A_88, %parallel_loop3A_591 = %broadcast_in_dim3A_88, %parallel_loop3A_592 = %broadcast_in_dim3A_88, %parallel_loop3A_593 = %broadcast_in_dim3A_88) -> (vector<16xf32>, vector<16xf32>, vector<16xf32>, vector<16xf32>)  : i32 {
      %parallel_loop3A_594 = arith.constant 4 : i32
      %parallel_loop3A_595 = arith.muli %parallel_loop3A_594, %parallel_loop3A_589 : i32
      %parallel_loop3A_596 = arith.constant 0 : i32
      %parallel_loop3A_597 = arith.addi %parallel_loop3A_595, %parallel_loop3A_596 : i32
      %parallel_loop3A_598 = arith.constant 16 : i32
      %parallel_loop3A_599 = arith.muli %parallel_loop3A_597, %parallel_loop3A_598 : i32
      %parallel_loop3A_600 = arith.constant 0 : i32
      %parallel_loop3A_601 = arith.addi %parallel_loop3A_600, %parallel_loop3A_599 : i32
      %parallel_loop3A_602 = arith.index_cast %parallel_loop3A_601 : i32 to index
      %parallel_loop3A_603 = tpu.vector_load %arg9[%parallel_loop3A_602] {strides = array<i32>} : memref<16384xi32, #tpu.memory_space<vmem>>, vector<16xi32>,
      %parallel_loop3A_604 = arith.constant 4 : i32
      %parallel_loop3A_605 = arith.muli %parallel_loop3A_604, %parallel_loop3A_589 : i32
      %parallel_loop3A_606 = arith.constant 0 : i32
      %parallel_loop3A_607 = arith.addi %parallel_loop3A_605, %parallel_loop3A_606 : i32
      %parallel_loop3A_608 = arith.constant 16 : i32
      %parallel_loop3A_609 = arith.muli %parallel_loop3A_607, %parallel_loop3A_608 : i32
      %parallel_loop3A_610 = arith.index_cast %parallel_loop3A_609 : i32 to index
      %parallel_loop3A_611 = tpu.vector_load %arg7[%parallel_loop3A_610] {strides = array<i32>} : memref<4096xf32, #tpu.memory_space<vmem>>, vector<16xf32>,
      %parallel_loop3A_612 = tpu.vector_load_idx %arg6[%parallel_loop3A_603] : memref<100000xf32, #tpu.memory_space<vmem>>[vector<16xi32>], vector<16xf32>,
      %parallel_loop3A_613 = arith.subf %parallel_loop3A_611, %parallel_loop3A_612 : vector<16xf32>
      %parallel_loop3A_614 = arith.mulf %parallel_loop3A_613, %parallel_loop3A_613 : vector<16xf32>
      %parallel_loop3A_615 = arith.addf %parallel_loop3A_590, %parallel_loop3A_614 : vector<16xf32>
      %parallel_loop3A_616 = arith.constant 4 : i32
      %parallel_loop3A_617 = arith.muli %parallel_loop3A_616, %parallel_loop3A_589 : i32
      %parallel_loop3A_618 = arith.constant 1 : i32
      %parallel_loop3A_619 = arith.addi %parallel_loop3A_617, %parallel_loop3A_618 : i32
      %parallel_loop3A_620 = arith.constant 16 : i32
      %parallel_loop3A_621 = arith.muli %parallel_loop3A_619, %parallel_loop3A_620 : i32
      %parallel_loop3A_622 = arith.constant 0 : i32
      %parallel_loop3A_623 = arith.addi %parallel_loop3A_622, %parallel_loop3A_621 : i32
      %parallel_loop3A_624 = arith.index_cast %parallel_loop3A_623 : i32 to index
      %parallel_loop3A_625 = tpu.vector_load %arg9[%parallel_loop3A_624] {strides = array<i32>} : memref<16384xi32, #tpu.memory_space<vmem>>, vector<16xi32>,
      %parallel_loop3A_626 = arith.constant 4 : i32
      %parallel_loop3A_627 = arith.muli %parallel_loop3A_626, %parallel_loop3A_589 : i32
      %parallel_loop3A_628 = arith.constant 1 : i32
      %parallel_loop3A_629 = arith.addi %parallel_loop3A_627, %parallel_loop3A_628 : i32
      %parallel_loop3A_630 = arith.constant 16 : i32
      %parallel_loop3A_631 = arith.muli %parallel_loop3A_629, %parallel_loop3A_630 : i32
      %parallel_loop3A_632 = arith.index_cast %parallel_loop3A_631 : i32 to index
      %parallel_loop3A_633 = tpu.vector_load %arg7[%parallel_loop3A_632] {strides = array<i32>} : memref<4096xf32, #tpu.memory_space<vmem>>, vector<16xf32>,
      %parallel_loop3A_634 = tpu.vector_load_idx %arg6[%parallel_loop3A_625] : memref<100000xf32, #tpu.memory_space<vmem>>[vector<16xi32>], vector<16xf32>,
      %parallel_loop3A_635 = arith.subf %parallel_loop3A_633, %parallel_loop3A_634 : vector<16xf32>
      %parallel_loop3A_636 = arith.mulf %parallel_loop3A_635, %parallel_loop3A_635 : vector<16xf32>
      %parallel_loop3A_637 = arith.addf %parallel_loop3A_591, %parallel_loop3A_636 : vector<16xf32>
      %parallel_loop3A_638 = arith.constant 4 : i32
      %parallel_loop3A_639 = arith.muli %parallel_loop3A_638, %parallel_loop3A_589 : i32
      %parallel_loop3A_640 = arith.constant 2 : i32
      %parallel_loop3A_641 = arith.addi %parallel_loop3A_639, %parallel_loop3A_640 : i32
      %parallel_loop3A_642 = arith.constant 16 : i32
      %parallel_loop3A_643 = arith.muli %parallel_loop3A_641, %parallel_loop3A_642 : i32
      %parallel_loop3A_644 = arith.constant 0 : i32
      %parallel_loop3A_645 = arith.addi %parallel_loop3A_644, %parallel_loop3A_643 : i32
      %parallel_loop3A_646 = arith.index_cast %parallel_loop3A_645 : i32 to index
      %parallel_loop3A_647 = tpu.vector_load %arg9[%parallel_loop3A_646] {strides = array<i32>} : memref<16384xi32, #tpu.memory_space<vmem>>, vector<16xi32>,
      %parallel_loop3A_648 = arith.constant 4 : i32
      %parallel_loop3A_649 = arith.muli %parallel_loop3A_648, %parallel_loop3A_589 : i32
      %parallel_loop3A_650 = arith.constant 2 : i32
      %parallel_loop3A_651 = arith.addi %parallel_loop3A_649, %parallel_loop3A_650 : i32
      %parallel_loop3A_652 = arith.constant 16 : i32
      %parallel_loop3A_653 = arith.muli %parallel_loop3A_651, %parallel_loop3A_652 : i32
      %parallel_loop3A_654 = arith.index_cast %parallel_loop3A_653 : i32 to index
      %parallel_loop3A_655 = tpu.vector_load %arg7[%parallel_loop3A_654] {strides = array<i32>} : memref<4096xf32, #tpu.memory_space<vmem>>, vector<16xf32>,
      %parallel_loop3A_656 = tpu.vector_load_idx %arg6[%parallel_loop3A_647] : memref<100000xf32, #tpu.memory_space<vmem>>[vector<16xi32>], vector<16xf32>,
      %parallel_loop3A_657 = arith.subf %parallel_loop3A_655, %parallel_loop3A_656 : vector<16xf32>
      %parallel_loop3A_658 = arith.mulf %parallel_loop3A_657, %parallel_loop3A_657 : vector<16xf32>
      %parallel_loop3A_659 = arith.addf %parallel_loop3A_592, %parallel_loop3A_658 : vector<16xf32>
      %parallel_loop3A_660 = arith.constant 4 : i32
      %parallel_loop3A_661 = arith.muli %parallel_loop3A_660, %parallel_loop3A_589 : i32
      %parallel_loop3A_662 = arith.constant 3 : i32
      %parallel_loop3A_663 = arith.addi %parallel_loop3A_661, %parallel_loop3A_662 : i32
      %parallel_loop3A_664 = arith.constant 16 : i32
      %parallel_loop3A_665 = arith.muli %parallel_loop3A_663, %parallel_loop3A_664 : i32
      %parallel_loop3A_666 = arith.constant 0 : i32
      %parallel_loop3A_667 = arith.addi %parallel_loop3A_666, %parallel_loop3A_665 : i32
      %parallel_loop3A_668 = arith.index_cast %parallel_loop3A_667 : i32 to index
      %parallel_loop3A_669 = tpu.vector_load %arg9[%parallel_loop3A_668] {strides = array<i32>} : memref<16384xi32, #tpu.memory_space<vmem>>, vector<16xi32>,
      %parallel_loop3A_670 = arith.constant 4 : i32
      %parallel_loop3A_671 = arith.muli %parallel_loop3A_670, %parallel_loop3A_589 : i32
      %parallel_loop3A_672 = arith.constant 3 : i32
      %parallel_loop3A_673 = arith.addi %parallel_loop3A_671, %parallel_loop3A_672 : i32
      %parallel_loop3A_674 = arith.constant 16 : i32
      %parallel_loop3A_675 = arith.muli %parallel_loop3A_673, %parallel_loop3A_674 : i32
      %parallel_loop3A_676 = arith.index_cast %parallel_loop3A_675 : i32 to index
      %parallel_loop3A_677 = tpu.vector_load %arg7[%parallel_loop3A_676] {strides = array<i32>} : memref<4096xf32, #tpu.memory_space<vmem>>, vector<16xf32>,
      %parallel_loop3A_678 = tpu.vector_load_idx %arg6[%parallel_loop3A_669] : memref<100000xf32, #tpu.memory_space<vmem>>[vector<16xi32>], vector<16xf32>,
      %parallel_loop3A_679 = arith.subf %parallel_loop3A_677, %parallel_loop3A_678 : vector<16xf32>
      %parallel_loop3A_680 = arith.mulf %parallel_loop3A_679, %parallel_loop3A_679 : vector<16xf32>
      %parallel_loop3A_681 = arith.addf %parallel_loop3A_593, %parallel_loop3A_680 : vector<16xf32>
      scf.yield %parallel_loop3A_615, %parallel_loop3A_637, %parallel_loop3A_659, %parallel_loop3A_681 : vector<16xf32>, vector<16xf32>, vector<16xf32>, vector<16xf32>
    } {sc.loop_unroll_factor = 2 : i64, sc.parallel_access}
    %jit3A_155 = arith.constant 8 : i32
    %div3A_156 = arith.divsi %add3A, %jit3A_155 : i32
    %sign3A_157 = arith.constant 0 : i32
    %sign3A_158 = arith.cmpi sgt, %add3A, %sign3A_157 : i32
    %sign3A_159 = arith.extui %sign3A_158 : i1 to i32
    %sign3A_160 = arith.constant 0 : i32
    %sign3A_161 = arith.cmpi slt, %add3A, %sign3A_160 : i32
    %sign3A_162 = arith.extui %sign3A_161 : i1 to i32
    %sign3A_163 = arith.subi %sign3A_159, %sign3A_162 : i32
    %sign3A_164 = arith.constant 0 : i32
    %sign3A_165 = arith.cmpi sgt, %jit3A_155, %sign3A_164 : i32
    %sign3A_166 = arith.extui %sign3A_165 : i1 to i32
    %sign3A_167 = arith.constant 0 : i32
    %sign3A_168 = arith.cmpi slt, %jit3A_155, %sign3A_167 : i32
    %sign3A_169 = arith.extui %sign3A_168 : i1 to i32
    %sign3A_170 = arith.subi %sign3A_166, %sign3A_169 : i32
    %ne3A_171 = arith.cmpi ne, %sign3A_163, %sign3A_170 : i32
    %rem3A_172 = arith.remsi %add3A, %jit3A_155 : i32
    %ne3A_173 = arith.constant 0 : i32
    %ne3A_174 = arith.cmpi ne, %rem3A_172, %ne3A_173 : i32
    %and3A_175 = arith.andi %ne3A_171, %ne3A_174 : i1
    %sub3A_176 = arith.constant 1 : i32
    %sub3A_177 = arith.subi %div3A_156, %sub3A_176 : i32
    %select_n3A_178 = arith.select %and3A_175, %sub3A_177, %div3A_156 : i32
    %jit3A_179 = arith.constant 8 : i32
    %eq3A_180 = arith.constant 0 : i32
    %eq3A_181 = arith.cmpi eq, %jit3A_179, %eq3A_180 : i32
    %jit3A_182 = arith.constant 1 : i32
    %select_n3A_183 = arith.select %eq3A_181, %jit3A_182, %jit3A_179 : i32
    %rem3A_184 = arith.remsi %add3A, %select_n3A_183 : i32
    %ne3A_185 = arith.constant 0 : i32
    %ne3A_186 = arith.cmpi ne, %rem3A_184, %ne3A_185 : i32
    %lt3A_187 = arith.constant 0 : i32
    %lt3A_188 = arith.cmpi slt, %rem3A_184, %lt3A_187 : i32
    %lt3A_189 = arith.constant 0 : i32
    %lt3A_190 = arith.cmpi slt, %select_n3A_183, %lt3A_189 : i32
    %ne3A_191 = arith.xori %lt3A_188, %lt3A_190 : i1
    %and3A_192 = arith.andi %ne3A_191, %ne3A_186 : i1
    %add3A_193 = arith.addi %rem3A_184, %select_n3A_183 : i32
    %select_n3A_194 = arith.select %and3A_192, %add3A_193, %rem3A_184 : i32
    %dma_start3A_195 = tpu.memref_reshape %arg2 : memref<64x16384xf32, #tpu.memory_space<hbm>> -> memref<8x8x16384xf32, #tpu.memory_space<hbm>>
    %dma_start3A_196 = arith.constant 8192 : i32
    %dma_start3A_197 = tpu.memref_slice %dma_start3A_195[%select_n3A_178, %select_n3A_194, %dma_start3A_196] : memref<8x8x16384xf32, #tpu.memory_space<hbm>> -> memref<1x1x4096xf32, #tpu.memory_space<hbm>>
    %dma_start3A_198 = tpu.memref_squeeze %dma_start3A_197 : memref<1x1x4096xf32, #tpu.memory_space<hbm>> -> memref<4096xf32, #tpu.memory_space<hbm>>
    %dma_start3A_199 = tpu.memref_reshape %arg2 : memref<64x16384xf32, #tpu.memory_space<hbm>> -> memref<8x8x16384xf32, #tpu.memory_space<hbm>>
    %dma_start3A_200 = arith.constant 8192 : i32
    %dma_start3A_201 = tpu.memref_slice %dma_start3A_199[%select_n3A_178, %select_n3A_194, %dma_start3A_200] : memref<8x8x16384xf32, #tpu.memory_space<hbm>> -> memref<1x1x4096xf32, #tpu.memory_space<hbm>>
    %dma_start3A_202 = tpu.memref_squeeze %dma_start3A_201 : memref<1x1x4096xf32, #tpu.memory_space<hbm>> -> memref<4096xf32, #tpu.memory_space<hbm>>
    tpu.enqueue_dma source(%dma_start3A_202 : memref<4096xf32, #tpu.memory_space<hbm>>) target(%arg7 : memref<4096xf32, #tpu.memory_space<vmem>>) target_semaphore(%arg12 : memref<!tpu.dma_semaphore, #tpu.memory_space<semaphore_mem>>)
    %dma_wait3A_203 = tpu.memref_reshape %arg2 : memref<64x16384xf32, #tpu.memory_space<hbm>> -> memref<8x8x16384xf32, #tpu.memory_space<hbm>>
    %dma_wait3A_204 = arith.constant 4096 : i32
    %dma_wait3A_205 = tpu.memref_slice %dma_wait3A_203[%select_n3A_119, %select_n3A_135, %dma_wait3A_204] : memref<8x8x16384xf32, #tpu.memory_space<hbm>> -> memref<1x1x4096xf32, #tpu.memory_space<hbm>>
    %dma_wait3A_206 = tpu.memref_squeeze %dma_wait3A_205 : memref<1x1x4096xf32, #tpu.memory_space<hbm>> -> memref<4096xf32, #tpu.memory_space<hbm>>
    %dma_wait3A_207 = tpu.memref_reshape %arg2 : memref<64x16384xf32, #tpu.memory_space<hbm>> -> memref<8x8x16384xf32, #tpu.memory_space<hbm>>
    %dma_wait3A_208 = arith.constant 4096 : i32
    %dma_wait3A_209 = tpu.memref_slice %dma_wait3A_207[%select_n3A_119, %select_n3A_135, %dma_wait3A_208] : memref<8x8x16384xf32, #tpu.memory_space<hbm>> -> memref<1x1x4096xf32, #tpu.memory_space<hbm>>
    %dma_wait3A_210 = tpu.memref_squeeze %dma_wait3A_209 : memref<1x1x4096xf32, #tpu.memory_space<hbm>> -> memref<4096xf32, #tpu.memory_space<hbm>>
    tpu.wait_dma2 semaphore(%arg12 : memref<!tpu.dma_semaphore, #tpu.memory_space<semaphore_mem>>) src(%dma_wait3A_210 : memref<4096xf32, #tpu.memory_space<hbm>>) dst(%arg8 : memref<4096xf32, #tpu.memory_space<vmem>>)
    %parallel_loop3A_211 = arith.constant 0 : i32
    %parallel_loop3A_212 = arith.constant 64 : i32
    %parallel_loop3A_213 = arith.constant 1 : i32
    %parallel_loop3A_214:4 = scf.for %parallel_loop3A_589 = %parallel_loop3A_211 to %parallel_loop3A_212 step %parallel_loop3A_213 iter_args(%parallel_loop3A_590 = %parallel_loop3A_154#0, %parallel_loop3A_591 = %parallel_loop3A_154#1, %parallel_loop3A_592 = %parallel_loop3A_154#2, %parallel_loop3A_593 = %parallel_loop3A_154#3) -> (vector<16xf32>, vector<16xf32>, vector<16xf32>, vector<16xf32>)  : i32 {
      %parallel_loop3A_594 = arith.constant 4 : i32
      %parallel_loop3A_595 = arith.muli %parallel_loop3A_594, %parallel_loop3A_589 : i32
      %parallel_loop3A_596 = arith.constant 0 : i32
      %parallel_loop3A_597 = arith.addi %parallel_loop3A_595, %parallel_loop3A_596 : i32
      %parallel_loop3A_598 = arith.constant 16 : i32
      %parallel_loop3A_599 = arith.muli %parallel_loop3A_597, %parallel_loop3A_598 : i32
      %parallel_loop3A_600 = arith.constant 4096 : i32
      %parallel_loop3A_601 = arith.addi %parallel_loop3A_600, %parallel_loop3A_599 : i32
      %parallel_loop3A_602 = arith.index_cast %parallel_loop3A_601 : i32 to index
      %parallel_loop3A_603 = tpu.vector_load %arg9[%parallel_loop3A_602] {strides = array<i32>} : memref<16384xi32, #tpu.memory_space<vmem>>, vector<16xi32>,
      %parallel_loop3A_604 = arith.constant 4 : i32
      %parallel_loop3A_605 = arith.muli %parallel_loop3A_604, %parallel_loop3A_589 : i32
      %parallel_loop3A_606 = arith.constant 0 : i32
      %parallel_loop3A_607 = arith.addi %parallel_loop3A_605, %parallel_loop3A_606 : i32
      %parallel_loop3A_608 = arith.constant 16 : i32
      %parallel_loop3A_609 = arith.muli %parallel_loop3A_607, %parallel_loop3A_608 : i32
      %parallel_loop3A_610 = arith.index_cast %parallel_loop3A_609 : i32 to index
      %parallel_loop3A_611 = tpu.vector_load %arg8[%parallel_loop3A_610] {strides = array<i32>} : memref<4096xf32, #tpu.memory_space<vmem>>, vector<16xf32>,
      %parallel_loop3A_612 = tpu.vector_load_idx %arg6[%parallel_loop3A_603] : memref<100000xf32, #tpu.memory_space<vmem>>[vector<16xi32>], vector<16xf32>,
      %parallel_loop3A_613 = arith.subf %parallel_loop3A_611, %parallel_loop3A_612 : vector<16xf32>
      %parallel_loop3A_614 = arith.mulf %parallel_loop3A_613, %parallel_loop3A_613 : vector<16xf32>
      %parallel_loop3A_615 = arith.addf %parallel_loop3A_590, %parallel_loop3A_614 : vector<16xf32>
      %parallel_loop3A_616 = arith.constant 4 : i32
      %parallel_loop3A_617 = arith.muli %parallel_loop3A_616, %parallel_loop3A_589 : i32
      %parallel_loop3A_618 = arith.constant 1 : i32
      %parallel_loop3A_619 = arith.addi %parallel_loop3A_617, %parallel_loop3A_618 : i32
      %parallel_loop3A_620 = arith.constant 16 : i32
      %parallel_loop3A_621 = arith.muli %parallel_loop3A_619, %parallel_loop3A_620 : i32
      %parallel_loop3A_622 = arith.constant 4096 : i32
      %parallel_loop3A_623 = arith.addi %parallel_loop3A_622, %parallel_loop3A_621 : i32
      %parallel_loop3A_624 = arith.index_cast %parallel_loop3A_623 : i32 to index
      %parallel_loop3A_625 = tpu.vector_load %arg9[%parallel_loop3A_624] {strides = array<i32>} : memref<16384xi32, #tpu.memory_space<vmem>>, vector<16xi32>,
      %parallel_loop3A_626 = arith.constant 4 : i32
      %parallel_loop3A_627 = arith.muli %parallel_loop3A_626, %parallel_loop3A_589 : i32
      %parallel_loop3A_628 = arith.constant 1 : i32
      %parallel_loop3A_629 = arith.addi %parallel_loop3A_627, %parallel_loop3A_628 : i32
      %parallel_loop3A_630 = arith.constant 16 : i32
      %parallel_loop3A_631 = arith.muli %parallel_loop3A_629, %parallel_loop3A_630 : i32
      %parallel_loop3A_632 = arith.index_cast %parallel_loop3A_631 : i32 to index
      %parallel_loop3A_633 = tpu.vector_load %arg8[%parallel_loop3A_632] {strides = array<i32>} : memref<4096xf32, #tpu.memory_space<vmem>>, vector<16xf32>,
      %parallel_loop3A_634 = tpu.vector_load_idx %arg6[%parallel_loop3A_625] : memref<100000xf32, #tpu.memory_space<vmem>>[vector<16xi32>], vector<16xf32>,
      %parallel_loop3A_635 = arith.subf %parallel_loop3A_633, %parallel_loop3A_634 : vector<16xf32>
      %parallel_loop3A_636 = arith.mulf %parallel_loop3A_635, %parallel_loop3A_635 : vector<16xf32>
      %parallel_loop3A_637 = arith.addf %parallel_loop3A_591, %parallel_loop3A_636 : vector<16xf32>
      %parallel_loop3A_638 = arith.constant 4 : i32
      %parallel_loop3A_639 = arith.muli %parallel_loop3A_638, %parallel_loop3A_589 : i32
      %parallel_loop3A_640 = arith.constant 2 : i32
      %parallel_loop3A_641 = arith.addi %parallel_loop3A_639, %parallel_loop3A_640 : i32
      %parallel_loop3A_642 = arith.constant 16 : i32
      %parallel_loop3A_643 = arith.muli %parallel_loop3A_641, %parallel_loop3A_642 : i32
      %parallel_loop3A_644 = arith.constant 4096 : i32
      %parallel_loop3A_645 = arith.addi %parallel_loop3A_644, %parallel_loop3A_643 : i32
      %parallel_loop3A_646 = arith.index_cast %parallel_loop3A_645 : i32 to index
      %parallel_loop3A_647 = tpu.vector_load %arg9[%parallel_loop3A_646] {strides = array<i32>} : memref<16384xi32, #tpu.memory_space<vmem>>, vector<16xi32>,
      %parallel_loop3A_648 = arith.constant 4 : i32
      %parallel_loop3A_649 = arith.muli %parallel_loop3A_648, %parallel_loop3A_589 : i32
      %parallel_loop3A_650 = arith.constant 2 : i32
      %parallel_loop3A_651 = arith.addi %parallel_loop3A_649, %parallel_loop3A_650 : i32
      %parallel_loop3A_652 = arith.constant 16 : i32
      %parallel_loop3A_653 = arith.muli %parallel_loop3A_651, %parallel_loop3A_652 : i32
      %parallel_loop3A_654 = arith.index_cast %parallel_loop3A_653 : i32 to index
      %parallel_loop3A_655 = tpu.vector_load %arg8[%parallel_loop3A_654] {strides = array<i32>} : memref<4096xf32, #tpu.memory_space<vmem>>, vector<16xf32>,
      %parallel_loop3A_656 = tpu.vector_load_idx %arg6[%parallel_loop3A_647] : memref<100000xf32, #tpu.memory_space<vmem>>[vector<16xi32>], vector<16xf32>,
      %parallel_loop3A_657 = arith.subf %parallel_loop3A_655, %parallel_loop3A_656 : vector<16xf32>
      %parallel_loop3A_658 = arith.mulf %parallel_loop3A_657, %parallel_loop3A_657 : vector<16xf32>
      %parallel_loop3A_659 = arith.addf %parallel_loop3A_592, %parallel_loop3A_658 : vector<16xf32>
      %parallel_loop3A_660 = arith.constant 4 : i32
      %parallel_loop3A_661 = arith.muli %parallel_loop3A_660, %parallel_loop3A_589 : i32
      %parallel_loop3A_662 = arith.constant 3 : i32
      %parallel_loop3A_663 = arith.addi %parallel_loop3A_661, %parallel_loop3A_662 : i32
      %parallel_loop3A_664 = arith.constant 16 : i32
      %parallel_loop3A_665 = arith.muli %parallel_loop3A_663, %parallel_loop3A_664 : i32
      %parallel_loop3A_666 = arith.constant 4096 : i32
      %parallel_loop3A_667 = arith.addi %parallel_loop3A_666, %parallel_loop3A_665 : i32
      %parallel_loop3A_668 = arith.index_cast %parallel_loop3A_667 : i32 to index
      %parallel_loop3A_669 = tpu.vector_load %arg9[%parallel_loop3A_668] {strides = array<i32>} : memref<16384xi32, #tpu.memory_space<vmem>>, vector<16xi32>,
      %parallel_loop3A_670 = arith.constant 4 : i32
      %parallel_loop3A_671 = arith.muli %parallel_loop3A_670, %parallel_loop3A_589 : i32
      %parallel_loop3A_672 = arith.constant 3 : i32
      %parallel_loop3A_673 = arith.addi %parallel_loop3A_671, %parallel_loop3A_672 : i32
      %parallel_loop3A_674 = arith.constant 16 : i32
      %parallel_loop3A_675 = arith.muli %parallel_loop3A_673, %parallel_loop3A_674 : i32
      %parallel_loop3A_676 = arith.index_cast %parallel_loop3A_675 : i32 to index
      %parallel_loop3A_677 = tpu.vector_load %arg8[%parallel_loop3A_676] {strides = array<i32>} : memref<4096xf32, #tpu.memory_space<vmem>>, vector<16xf32>,
      %parallel_loop3A_678 = tpu.vector_load_idx %arg6[%parallel_loop3A_669] : memref<100000xf32, #tpu.memory_space<vmem>>[vector<16xi32>], vector<16xf32>,
      %parallel_loop3A_679 = arith.subf %parallel_loop3A_677, %parallel_loop3A_678 : vector<16xf32>
      %parallel_loop3A_680 = arith.mulf %parallel_loop3A_679, %parallel_loop3A_679 : vector<16xf32>
      %parallel_loop3A_681 = arith.addf %parallel_loop3A_593, %parallel_loop3A_680 : vector<16xf32>
      scf.yield %parallel_loop3A_615, %parallel_loop3A_637, %parallel_loop3A_659, %parallel_loop3A_681 : vector<16xf32>, vector<16xf32>, vector<16xf32>, vector<16xf32>
    } {sc.loop_unroll_factor = 2 : i64, sc.parallel_access}
    %jit3A_215 = arith.constant 8 : i32
    %div3A_216 = arith.divsi %add3A, %jit3A_215 : i32
    %sign3A_217 = arith.constant 0 : i32
    %sign3A_218 = arith.cmpi sgt, %add3A, %sign3A_217 : i32
    %sign3A_219 = arith.extui %sign3A_218 : i1 to i32
    %sign3A_220 = arith.constant 0 : i32
    %sign3A_221 = arith.cmpi slt, %add3A, %sign3A_220 : i32
    %sign3A_222 = arith.extui %sign3A_221 : i1 to i32
    %sign3A_223 = arith.subi %sign3A_219, %sign3A_222 : i32
    %sign3A_224 = arith.constant 0 : i32
    %sign3A_225 = arith.cmpi sgt, %jit3A_215, %sign3A_224 : i32
    %sign3A_226 = arith.extui %sign3A_225 : i1 to i32
    %sign3A_227 = arith.constant 0 : i32
    %sign3A_228 = arith.cmpi slt, %jit3A_215, %sign3A_227 : i32
    %sign3A_229 = arith.extui %sign3A_228 : i1 to i32
    %sign3A_230 = arith.subi %sign3A_226, %sign3A_229 : i32
    %ne3A_231 = arith.cmpi ne, %sign3A_223, %sign3A_230 : i32
    %rem3A_232 = arith.remsi %add3A, %jit3A_215 : i32
    %ne3A_233 = arith.constant 0 : i32
    %ne3A_234 = arith.cmpi ne, %rem3A_232, %ne3A_233 : i32
    %and3A_235 = arith.andi %ne3A_231, %ne3A_234 : i1
    %sub3A_236 = arith.constant 1 : i32
    %sub3A_237 = arith.subi %div3A_216, %sub3A_236 : i32
    %select_n3A_238 = arith.select %and3A_235, %sub3A_237, %div3A_216 : i32
    %jit3A_239 = arith.constant 8 : i32
    %eq3A_240 = arith.constant 0 : i32
    %eq3A_241 = arith.cmpi eq, %jit3A_239, %eq3A_240 : i32
    %jit3A_242 = arith.constant 1 : i32
    %select_n3A_243 = arith.select %eq3A_241, %jit3A_242, %jit3A_239 : i32
    %rem3A_244 = arith.remsi %add3A, %select_n3A_243 : i32
    %ne3A_245 = arith.constant 0 : i32
    %ne3A_246 = arith.cmpi ne, %rem3A_244, %ne3A_245 : i32
    %lt3A_247 = arith.constant 0 : i32
    %lt3A_248 = arith.cmpi slt, %rem3A_244, %lt3A_247 : i32
    %lt3A_249 = arith.constant 0 : i32
    %lt3A_250 = arith.cmpi slt, %select_n3A_243, %lt3A_249 : i32
    %ne3A_251 = arith.xori %lt3A_248, %lt3A_250 : i1
    %and3A_252 = arith.andi %ne3A_251, %ne3A_246 : i1
    %add3A_253 = arith.addi %rem3A_244, %select_n3A_243 : i32
    %select_n3A_254 = arith.select %and3A_252, %add3A_253, %rem3A_244 : i32
    %dma_start3A_255 = tpu.memref_reshape %arg2 : memref<64x16384xf32, #tpu.memory_space<hbm>> -> memref<8x8x16384xf32, #tpu.memory_space<hbm>>
    %dma_start3A_256 = arith.constant 12288 : i32
    %dma_start3A_257 = tpu.memref_slice %dma_start3A_255[%select_n3A_238, %select_n3A_254, %dma_start3A_256] : memref<8x8x16384xf32, #tpu.memory_space<hbm>> -> memref<1x1x4096xf32, #tpu.memory_space<hbm>>
    %dma_start3A_258 = tpu.memref_squeeze %dma_start3A_257 : memref<1x1x4096xf32, #tpu.memory_space<hbm>> -> memref<4096xf32, #tpu.memory_space<hbm>>
    %dma_start3A_259 = tpu.memref_reshape %arg2 : memref<64x16384xf32, #tpu.memory_space<hbm>> -> memref<8x8x16384xf32, #tpu.memory_space<hbm>>
    %dma_start3A_260 = arith.constant 12288 : i32
    %dma_start3A_261 = tpu.memref_slice %dma_start3A_259[%select_n3A_238, %select_n3A_254, %dma_start3A_260] : memref<8x8x16384xf32, #tpu.memory_space<hbm>> -> memref<1x1x4096xf32, #tpu.memory_space<hbm>>
    %dma_start3A_262 = tpu.memref_squeeze %dma_start3A_261 : memref<1x1x4096xf32, #tpu.memory_space<hbm>> -> memref<4096xf32, #tpu.memory_space<hbm>>
    tpu.enqueue_dma source(%dma_start3A_262 : memref<4096xf32, #tpu.memory_space<hbm>>) target(%arg8 : memref<4096xf32, #tpu.memory_space<vmem>>) target_semaphore(%arg12 : memref<!tpu.dma_semaphore, #tpu.memory_space<semaphore_mem>>)
    %dma_wait3A_263 = tpu.memref_reshape %arg2 : memref<64x16384xf32, #tpu.memory_space<hbm>> -> memref<8x8x16384xf32, #tpu.memory_space<hbm>>
    %dma_wait3A_264 = arith.constant 8192 : i32
    %dma_wait3A_265 = tpu.memref_slice %dma_wait3A_263[%select_n3A_178, %select_n3A_194, %dma_wait3A_264] : memref<8x8x16384xf32, #tpu.memory_space<hbm>> -> memref<1x1x4096xf32, #tpu.memory_space<hbm>>
    %dma_wait3A_266 = tpu.memref_squeeze %dma_wait3A_265 : memref<1x1x4096xf32, #tpu.memory_space<hbm>> -> memref<4096xf32, #tpu.memory_space<hbm>>
    %dma_wait3A_267 = tpu.memref_reshape %arg2 : memref<64x16384xf32, #tpu.memory_space<hbm>> -> memref<8x8x16384xf32, #tpu.memory_space<hbm>>
    %dma_wait3A_268 = arith.constant 8192 : i32
    %dma_wait3A_269 = tpu.memref_slice %dma_wait3A_267[%select_n3A_178, %select_n3A_194, %dma_wait3A_268] : memref<8x8x16384xf32, #tpu.memory_space<hbm>> -> memref<1x1x4096xf32, #tpu.memory_space<hbm>>
    %dma_wait3A_270 = tpu.memref_squeeze %dma_wait3A_269 : memref<1x1x4096xf32, #tpu.memory_space<hbm>> -> memref<4096xf32, #tpu.memory_space<hbm>>
    tpu.wait_dma2 semaphore(%arg12 : memref<!tpu.dma_semaphore, #tpu.memory_space<semaphore_mem>>) src(%dma_wait3A_270 : memref<4096xf32, #tpu.memory_space<hbm>>) dst(%arg7 : memref<4096xf32, #tpu.memory_space<vmem>>)
    %parallel_loop3A_271 = arith.constant 0 : i32
    %parallel_loop3A_272 = arith.constant 64 : i32
    %parallel_loop3A_273 = arith.constant 1 : i32
    %parallel_loop3A_274:4 = scf.for %parallel_loop3A_589 = %parallel_loop3A_271 to %parallel_loop3A_272 step %parallel_loop3A_273 iter_args(%parallel_loop3A_590 = %parallel_loop3A_214#0, %parallel_loop3A_591 = %parallel_loop3A_214#1, %parallel_loop3A_592 = %parallel_loop3A_214#2, %parallel_loop3A_593 = %parallel_loop3A_214#3) -> (vector<16xf32>, vector<16xf32>, vector<16xf32>, vector<16xf32>)  : i32 {
      %parallel_loop3A_594 = arith.constant 4 : i32
      %parallel_loop3A_595 = arith.muli %parallel_loop3A_594, %parallel_loop3A_589 : i32
      %parallel_loop3A_596 = arith.constant 0 : i32
      %parallel_loop3A_597 = arith.addi %parallel_loop3A_595, %parallel_loop3A_596 : i32
      %parallel_loop3A_598 = arith.constant 16 : i32
      %parallel_loop3A_599 = arith.muli %parallel_loop3A_597, %parallel_loop3A_598 : i32
      %parallel_loop3A_600 = arith.constant 8192 : i32
      %parallel_loop3A_601 = arith.addi %parallel_loop3A_600, %parallel_loop3A_599 : i32
      %parallel_loop3A_602 = arith.index_cast %parallel_loop3A_601 : i32 to index
      %parallel_loop3A_603 = tpu.vector_load %arg9[%parallel_loop3A_602] {strides = array<i32>} : memref<16384xi32, #tpu.memory_space<vmem>>, vector<16xi32>,
      %parallel_loop3A_604 = arith.constant 4 : i32
      %parallel_loop3A_605 = arith.muli %parallel_loop3A_604, %parallel_loop3A_589 : i32
      %parallel_loop3A_606 = arith.constant 0 : i32
      %parallel_loop3A_607 = arith.addi %parallel_loop3A_605, %parallel_loop3A_606 : i32
      %parallel_loop3A_608 = arith.constant 16 : i32
      %parallel_loop3A_609 = arith.muli %parallel_loop3A_607, %parallel_loop3A_608 : i32
      %parallel_loop3A_610 = arith.index_cast %parallel_loop3A_609 : i32 to index
      %parallel_loop3A_611 = tpu.vector_load %arg7[%parallel_loop3A_610] {strides = array<i32>} : memref<4096xf32, #tpu.memory_space<vmem>>, vector<16xf32>,
      %parallel_loop3A_612 = tpu.vector_load_idx %arg6[%parallel_loop3A_603] : memref<100000xf32, #tpu.memory_space<vmem>>[vector<16xi32>], vector<16xf32>,
      %parallel_loop3A_613 = arith.subf %parallel_loop3A_611, %parallel_loop3A_612 : vector<16xf32>
      %parallel_loop3A_614 = arith.mulf %parallel_loop3A_613, %parallel_loop3A_613 : vector<16xf32>
      %parallel_loop3A_615 = arith.addf %parallel_loop3A_590, %parallel_loop3A_614 : vector<16xf32>
      %parallel_loop3A_616 = arith.constant 4 : i32
      %parallel_loop3A_617 = arith.muli %parallel_loop3A_616, %parallel_loop3A_589 : i32
      %parallel_loop3A_618 = arith.constant 1 : i32
      %parallel_loop3A_619 = arith.addi %parallel_loop3A_617, %parallel_loop3A_618 : i32
      %parallel_loop3A_620 = arith.constant 16 : i32
      %parallel_loop3A_621 = arith.muli %parallel_loop3A_619, %parallel_loop3A_620 : i32
      %parallel_loop3A_622 = arith.constant 8192 : i32
      %parallel_loop3A_623 = arith.addi %parallel_loop3A_622, %parallel_loop3A_621 : i32
      %parallel_loop3A_624 = arith.index_cast %parallel_loop3A_623 : i32 to index
      %parallel_loop3A_625 = tpu.vector_load %arg9[%parallel_loop3A_624] {strides = array<i32>} : memref<16384xi32, #tpu.memory_space<vmem>>, vector<16xi32>,
      %parallel_loop3A_626 = arith.constant 4 : i32
      %parallel_loop3A_627 = arith.muli %parallel_loop3A_626, %parallel_loop3A_589 : i32
      %parallel_loop3A_628 = arith.constant 1 : i32
      %parallel_loop3A_629 = arith.addi %parallel_loop3A_627, %parallel_loop3A_628 : i32
      %parallel_loop3A_630 = arith.constant 16 : i32
      %parallel_loop3A_631 = arith.muli %parallel_loop3A_629, %parallel_loop3A_630 : i32
      %parallel_loop3A_632 = arith.index_cast %parallel_loop3A_631 : i32 to index
      %parallel_loop3A_633 = tpu.vector_load %arg7[%parallel_loop3A_632] {strides = array<i32>} : memref<4096xf32, #tpu.memory_space<vmem>>, vector<16xf32>,
      %parallel_loop3A_634 = tpu.vector_load_idx %arg6[%parallel_loop3A_625] : memref<100000xf32, #tpu.memory_space<vmem>>[vector<16xi32>], vector<16xf32>,
      %parallel_loop3A_635 = arith.subf %parallel_loop3A_633, %parallel_loop3A_634 : vector<16xf32>
      %parallel_loop3A_636 = arith.mulf %parallel_loop3A_635, %parallel_loop3A_635 : vector<16xf32>
      %parallel_loop3A_637 = arith.addf %parallel_loop3A_591, %parallel_loop3A_636 : vector<16xf32>
      %parallel_loop3A_638 = arith.constant 4 : i32
      %parallel_loop3A_639 = arith.muli %parallel_loop3A_638, %parallel_loop3A_589 : i32
      %parallel_loop3A_640 = arith.constant 2 : i32
      %parallel_loop3A_641 = arith.addi %parallel_loop3A_639, %parallel_loop3A_640 : i32
      %parallel_loop3A_642 = arith.constant 16 : i32
      %parallel_loop3A_643 = arith.muli %parallel_loop3A_641, %parallel_loop3A_642 : i32
      %parallel_loop3A_644 = arith.constant 8192 : i32
      %parallel_loop3A_645 = arith.addi %parallel_loop3A_644, %parallel_loop3A_643 : i32
      %parallel_loop3A_646 = arith.index_cast %parallel_loop3A_645 : i32 to index
      %parallel_loop3A_647 = tpu.vector_load %arg9[%parallel_loop3A_646] {strides = array<i32>} : memref<16384xi32, #tpu.memory_space<vmem>>, vector<16xi32>,
      %parallel_loop3A_648 = arith.constant 4 : i32
      %parallel_loop3A_649 = arith.muli %parallel_loop3A_648, %parallel_loop3A_589 : i32
      %parallel_loop3A_650 = arith.constant 2 : i32
      %parallel_loop3A_651 = arith.addi %parallel_loop3A_649, %parallel_loop3A_650 : i32
      %parallel_loop3A_652 = arith.constant 16 : i32
      %parallel_loop3A_653 = arith.muli %parallel_loop3A_651, %parallel_loop3A_652 : i32
      %parallel_loop3A_654 = arith.index_cast %parallel_loop3A_653 : i32 to index
      %parallel_loop3A_655 = tpu.vector_load %arg7[%parallel_loop3A_654] {strides = array<i32>} : memref<4096xf32, #tpu.memory_space<vmem>>, vector<16xf32>,
      %parallel_loop3A_656 = tpu.vector_load_idx %arg6[%parallel_loop3A_647] : memref<100000xf32, #tpu.memory_space<vmem>>[vector<16xi32>], vector<16xf32>,
      %parallel_loop3A_657 = arith.subf %parallel_loop3A_655, %parallel_loop3A_656 : vector<16xf32>
      %parallel_loop3A_658 = arith.mulf %parallel_loop3A_657, %parallel_loop3A_657 : vector<16xf32>
      %parallel_loop3A_659 = arith.addf %parallel_loop3A_592, %parallel_loop3A_658 : vector<16xf32>
      %parallel_loop3A_660 = arith.constant 4 : i32
      %parallel_loop3A_661 = arith.muli %parallel_loop3A_660, %parallel_loop3A_589 : i32
      %parallel_loop3A_662 = arith.constant 3 : i32
      %parallel_loop3A_663 = arith.addi %parallel_loop3A_661, %parallel_loop3A_662 : i32
      %parallel_loop3A_664 = arith.constant 16 : i32
      %parallel_loop3A_665 = arith.muli %parallel_loop3A_663, %parallel_loop3A_664 : i32
      %parallel_loop3A_666 = arith.constant 8192 : i32
      %parallel_loop3A_667 = arith.addi %parallel_loop3A_666, %parallel_loop3A_665 : i32
      %parallel_loop3A_668 = arith.index_cast %parallel_loop3A_667 : i32 to index
      %parallel_loop3A_669 = tpu.vector_load %arg9[%parallel_loop3A_668] {strides = array<i32>} : memref<16384xi32, #tpu.memory_space<vmem>>, vector<16xi32>,
      %parallel_loop3A_670 = arith.constant 4 : i32
      %parallel_loop3A_671 = arith.muli %parallel_loop3A_670, %parallel_loop3A_589 : i32
      %parallel_loop3A_672 = arith.constant 3 : i32
      %parallel_loop3A_673 = arith.addi %parallel_loop3A_671, %parallel_loop3A_672 : i32
      %parallel_loop3A_674 = arith.constant 16 : i32
      %parallel_loop3A_675 = arith.muli %parallel_loop3A_673, %parallel_loop3A_674 : i32
      %parallel_loop3A_676 = arith.index_cast %parallel_loop3A_675 : i32 to index
      %parallel_loop3A_677 = tpu.vector_load %arg7[%parallel_loop3A_676] {strides = array<i32>} : memref<4096xf32, #tpu.memory_space<vmem>>, vector<16xf32>,
      %parallel_loop3A_678 = tpu.vector_load_idx %arg6[%parallel_loop3A_669] : memref<100000xf32, #tpu.memory_space<vmem>>[vector<16xi32>], vector<16xf32>,
      %parallel_loop3A_679 = arith.subf %parallel_loop3A_677, %parallel_loop3A_678 : vector<16xf32>
      %parallel_loop3A_680 = arith.mulf %parallel_loop3A_679, %parallel_loop3A_679 : vector<16xf32>
      %parallel_loop3A_681 = arith.addf %parallel_loop3A_593, %parallel_loop3A_680 : vector<16xf32>
      scf.yield %parallel_loop3A_615, %parallel_loop3A_637, %parallel_loop3A_659, %parallel_loop3A_681 : vector<16xf32>, vector<16xf32>, vector<16xf32>, vector<16xf32>
    } {sc.loop_unroll_factor = 2 : i64, sc.parallel_access}
    %jit3A_275 = arith.constant 8 : i32
    %div3A_276 = arith.divsi %add3A_2, %jit3A_275 : i32
    %sign3A_277 = arith.constant 0 : i32
    %sign3A_278 = arith.cmpi sgt, %add3A_2, %sign3A_277 : i32
    %sign3A_279 = arith.extui %sign3A_278 : i1 to i32
    %sign3A_280 = arith.constant 0 : i32
    %sign3A_281 = arith.cmpi slt, %add3A_2, %sign3A_280 : i32
    %sign3A_282 = arith.extui %sign3A_281 : i1 to i32
    %sign3A_283 = arith.subi %sign3A_279, %sign3A_282 : i32
    %sign3A_284 = arith.constant 0 : i32
    %sign3A_285 = arith.cmpi sgt, %jit3A_275, %sign3A_284 : i32
    %sign3A_286 = arith.extui %sign3A_285 : i1 to i32
    %sign3A_287 = arith.constant 0 : i32
    %sign3A_288 = arith.cmpi slt, %jit3A_275, %sign3A_287 : i32
    %sign3A_289 = arith.extui %sign3A_288 : i1 to i32
    %sign3A_290 = arith.subi %sign3A_286, %sign3A_289 : i32
    %ne3A_291 = arith.cmpi ne, %sign3A_283, %sign3A_290 : i32
    %rem3A_292 = arith.remsi %add3A_2, %jit3A_275 : i32
    %ne3A_293 = arith.constant 0 : i32
    %ne3A_294 = arith.cmpi ne, %rem3A_292, %ne3A_293 : i32
    %and3A_295 = arith.andi %ne3A_291, %ne3A_294 : i1
    %sub3A_296 = arith.constant 1 : i32
    %sub3A_297 = arith.subi %div3A_276, %sub3A_296 : i32
    %select_n3A_298 = arith.select %and3A_295, %sub3A_297, %div3A_276 : i32
    %jit3A_299 = arith.constant 8 : i32
    %eq3A_300 = arith.constant 0 : i32
    %eq3A_301 = arith.cmpi eq, %jit3A_299, %eq3A_300 : i32
    %jit3A_302 = arith.constant 1 : i32
    %select_n3A_303 = arith.select %eq3A_301, %jit3A_302, %jit3A_299 : i32
    %rem3A_304 = arith.remsi %add3A_2, %select_n3A_303 : i32
    %ne3A_305 = arith.constant 0 : i32
    %ne3A_306 = arith.cmpi ne, %rem3A_304, %ne3A_305 : i32
    %lt3A_307 = arith.constant 0 : i32
    %lt3A_308 = arith.cmpi slt, %rem3A_304, %lt3A_307 : i32
    %lt3A_309 = arith.constant 0 : i32
    %lt3A_310 = arith.cmpi slt, %select_n3A_303, %lt3A_309 : i32
    %ne3A_311 = arith.xori %lt3A_308, %lt3A_310 : i1
    %and3A_312 = arith.andi %ne3A_311, %ne3A_306 : i1
    %add3A_313 = arith.addi %rem3A_304, %select_n3A_303 : i32
    %select_n3A_314 = arith.select %and3A_312, %add3A_313, %rem3A_304 : i32
    %dma_start3A_315 = tpu.memref_reshape %arg2 : memref<64x16384xf32, #tpu.memory_space<hbm>> -> memref<8x8x16384xf32, #tpu.memory_space<hbm>>
    %dma_start3A_316 = arith.constant 0 : i32
    %dma_start3A_317 = tpu.memref_slice %dma_start3A_315[%select_n3A_298, %select_n3A_314, %dma_start3A_316] : memref<8x8x16384xf32, #tpu.memory_space<hbm>> -> memref<1x1x4096xf32, #tpu.memory_space<hbm>>
    %dma_start3A_318 = tpu.memref_squeeze %dma_start3A_317 : memref<1x1x4096xf32, #tpu.memory_space<hbm>> -> memref<4096xf32, #tpu.memory_space<hbm>>
    %dma_start3A_319 = tpu.memref_reshape %arg2 : memref<64x16384xf32, #tpu.memory_space<hbm>> -> memref<8x8x16384xf32, #tpu.memory_space<hbm>>
    %dma_start3A_320 = arith.constant 0 : i32
    %dma_start3A_321 = tpu.memref_slice %dma_start3A_319[%select_n3A_298, %select_n3A_314, %dma_start3A_320] : memref<8x8x16384xf32, #tpu.memory_space<hbm>> -> memref<1x1x4096xf32, #tpu.memory_space<hbm>>
    %dma_start3A_322 = tpu.memref_squeeze %dma_start3A_321 : memref<1x1x4096xf32, #tpu.memory_space<hbm>> -> memref<4096xf32, #tpu.memory_space<hbm>>
    tpu.enqueue_dma source(%dma_start3A_322 : memref<4096xf32, #tpu.memory_space<hbm>>) target(%arg7 : memref<4096xf32, #tpu.memory_space<vmem>>) target_semaphore(%arg12 : memref<!tpu.dma_semaphore, #tpu.memory_space<semaphore_mem>>)
    %dma_wait3A_323 = tpu.memref_reshape %arg2 : memref<64x16384xf32, #tpu.memory_space<hbm>> -> memref<8x8x16384xf32, #tpu.memory_space<hbm>>
    %dma_wait3A_324 = arith.constant 12288 : i32
    %dma_wait3A_325 = tpu.memref_slice %dma_wait3A_323[%select_n3A_238, %select_n3A_254, %dma_wait3A_324] : memref<8x8x16384xf32, #tpu.memory_space<hbm>> -> memref<1x1x4096xf32, #tpu.memory_space<hbm>>
    %dma_wait3A_326 = tpu.memref_squeeze %dma_wait3A_325 : memref<1x1x4096xf32, #tpu.memory_space<hbm>> -> memref<4096xf32, #tpu.memory_space<hbm>>
    %dma_wait3A_327 = tpu.memref_reshape %arg2 : memref<64x16384xf32, #tpu.memory_space<hbm>> -> memref<8x8x16384xf32, #tpu.memory_space<hbm>>
    %dma_wait3A_328 = arith.constant 12288 : i32
    %dma_wait3A_329 = tpu.memref_slice %dma_wait3A_327[%select_n3A_238, %select_n3A_254, %dma_wait3A_328] : memref<8x8x16384xf32, #tpu.memory_space<hbm>> -> memref<1x1x4096xf32, #tpu.memory_space<hbm>>
    %dma_wait3A_330 = tpu.memref_squeeze %dma_wait3A_329 : memref<1x1x4096xf32, #tpu.memory_space<hbm>> -> memref<4096xf32, #tpu.memory_space<hbm>>
    tpu.wait_dma2 semaphore(%arg12 : memref<!tpu.dma_semaphore, #tpu.memory_space<semaphore_mem>>) src(%dma_wait3A_330 : memref<4096xf32, #tpu.memory_space<hbm>>) dst(%arg8 : memref<4096xf32, #tpu.memory_space<vmem>>)
    %parallel_loop3A_331 = arith.constant 0 : i32
    %parallel_loop3A_332 = arith.constant 64 : i32
    %parallel_loop3A_333 = arith.constant 1 : i32
    %parallel_loop3A_334:4 = scf.for %parallel_loop3A_589 = %parallel_loop3A_331 to %parallel_loop3A_332 step %parallel_loop3A_333 iter_args(%parallel_loop3A_590 = %parallel_loop3A_274#0, %parallel_loop3A_591 = %parallel_loop3A_274#1, %parallel_loop3A_592 = %parallel_loop3A_274#2, %parallel_loop3A_593 = %parallel_loop3A_274#3) -> (vector<16xf32>, vector<16xf32>, vector<16xf32>, vector<16xf32>)  : i32 {
      %parallel_loop3A_594 = arith.constant 4 : i32
      %parallel_loop3A_595 = arith.muli %parallel_loop3A_594, %parallel_loop3A_589 : i32
      %parallel_loop3A_596 = arith.constant 0 : i32
      %parallel_loop3A_597 = arith.addi %parallel_loop3A_595, %parallel_loop3A_596 : i32
      %parallel_loop3A_598 = arith.constant 16 : i32
      %parallel_loop3A_599 = arith.muli %parallel_loop3A_597, %parallel_loop3A_598 : i32
      %parallel_loop3A_600 = arith.constant 12288 : i32
      %parallel_loop3A_601 = arith.addi %parallel_loop3A_600, %parallel_loop3A_599 : i32
      %parallel_loop3A_602 = arith.index_cast %parallel_loop3A_601 : i32 to index
      %parallel_loop3A_603 = tpu.vector_load %arg9[%parallel_loop3A_602] {strides = array<i32>} : memref<16384xi32, #tpu.memory_space<vmem>>, vector<16xi32>,
      %parallel_loop3A_604 = arith.constant 4 : i32
      %parallel_loop3A_605 = arith.muli %parallel_loop3A_604, %parallel_loop3A_589 : i32
      %parallel_loop3A_606 = arith.constant 0 : i32
      %parallel_loop3A_607 = arith.addi %parallel_loop3A_605, %parallel_loop3A_606 : i32
      %parallel_loop3A_608 = arith.constant 16 : i32
      %parallel_loop3A_609 = arith.muli %parallel_loop3A_607, %parallel_loop3A_608 : i32
      %parallel_loop3A_610 = arith.index_cast %parallel_loop3A_609 : i32 to index
      %parallel_loop3A_611 = tpu.vector_load %arg8[%parallel_loop3A_610] {strides = array<i32>} : memref<4096xf32, #tpu.memory_space<vmem>>, vector<16xf32>,
      %parallel_loop3A_612 = tpu.vector_load_idx %arg6[%parallel_loop3A_603] : memref<100000xf32, #tpu.memory_space<vmem>>[vector<16xi32>], vector<16xf32>,
      %parallel_loop3A_613 = arith.subf %parallel_loop3A_611, %parallel_loop3A_612 : vector<16xf32>
      %parallel_loop3A_614 = arith.mulf %parallel_loop3A_613, %parallel_loop3A_613 : vector<16xf32>
      %parallel_loop3A_615 = arith.addf %parallel_loop3A_590, %parallel_loop3A_614 : vector<16xf32>
      %parallel_loop3A_616 = arith.constant 4 : i32
      %parallel_loop3A_617 = arith.muli %parallel_loop3A_616, %parallel_loop3A_589 : i32
      %parallel_loop3A_618 = arith.constant 1 : i32
      %parallel_loop3A_619 = arith.addi %parallel_loop3A_617, %parallel_loop3A_618 : i32
      %parallel_loop3A_620 = arith.constant 16 : i32
      %parallel_loop3A_621 = arith.muli %parallel_loop3A_619, %parallel_loop3A_620 : i32
      %parallel_loop3A_622 = arith.constant 12288 : i32
      %parallel_loop3A_623 = arith.addi %parallel_loop3A_622, %parallel_loop3A_621 : i32
      %parallel_loop3A_624 = arith.index_cast %parallel_loop3A_623 : i32 to index
      %parallel_loop3A_625 = tpu.vector_load %arg9[%parallel_loop3A_624] {strides = array<i32>} : memref<16384xi32, #tpu.memory_space<vmem>>, vector<16xi32>,
      %parallel_loop3A_626 = arith.constant 4 : i32
      %parallel_loop3A_627 = arith.muli %parallel_loop3A_626, %parallel_loop3A_589 : i32
      %parallel_loop3A_628 = arith.constant 1 : i32
      %parallel_loop3A_629 = arith.addi %parallel_loop3A_627, %parallel_loop3A_628 : i32
      %parallel_loop3A_630 = arith.constant 16 : i32
      %parallel_loop3A_631 = arith.muli %parallel_loop3A_629, %parallel_loop3A_630 : i32
      %parallel_loop3A_632 = arith.index_cast %parallel_loop3A_631 : i32 to index
      %parallel_loop3A_633 = tpu.vector_load %arg8[%parallel_loop3A_632] {strides = array<i32>} : memref<4096xf32, #tpu.memory_space<vmem>>, vector<16xf32>,
      %parallel_loop3A_634 = tpu.vector_load_idx %arg6[%parallel_loop3A_625] : memref<100000xf32, #tpu.memory_space<vmem>>[vector<16xi32>], vector<16xf32>,
      %parallel_loop3A_635 = arith.subf %parallel_loop3A_633, %parallel_loop3A_634 : vector<16xf32>
      %parallel_loop3A_636 = arith.mulf %parallel_loop3A_635, %parallel_loop3A_635 : vector<16xf32>
      %parallel_loop3A_637 = arith.addf %parallel_loop3A_591, %parallel_loop3A_636 : vector<16xf32>
      %parallel_loop3A_638 = arith.constant 4 : i32
      %parallel_loop3A_639 = arith.muli %parallel_loop3A_638, %parallel_loop3A_589 : i32
      %parallel_loop3A_640 = arith.constant 2 : i32
      %parallel_loop3A_641 = arith.addi %parallel_loop3A_639, %parallel_loop3A_640 : i32
      %parallel_loop3A_642 = arith.constant 16 : i32
      %parallel_loop3A_643 = arith.muli %parallel_loop3A_641, %parallel_loop3A_642 : i32
      %parallel_loop3A_644 = arith.constant 12288 : i32
      %parallel_loop3A_645 = arith.addi %parallel_loop3A_644, %parallel_loop3A_643 : i32
      %parallel_loop3A_646 = arith.index_cast %parallel_loop3A_645 : i32 to index
      %parallel_loop3A_647 = tpu.vector_load %arg9[%parallel_loop3A_646] {strides = array<i32>} : memref<16384xi32, #tpu.memory_space<vmem>>, vector<16xi32>,
      %parallel_loop3A_648 = arith.constant 4 : i32
      %parallel_loop3A_649 = arith.muli %parallel_loop3A_648, %parallel_loop3A_589 : i32
      %parallel_loop3A_650 = arith.constant 2 : i32
      %parallel_loop3A_651 = arith.addi %parallel_loop3A_649, %parallel_loop3A_650 : i32
      %parallel_loop3A_652 = arith.constant 16 : i32
      %parallel_loop3A_653 = arith.muli %parallel_loop3A_651, %parallel_loop3A_652 : i32
      %parallel_loop3A_654 = arith.index_cast %parallel_loop3A_653 : i32 to index
      %parallel_loop3A_655 = tpu.vector_load %arg8[%parallel_loop3A_654] {strides = array<i32>} : memref<4096xf32, #tpu.memory_space<vmem>>, vector<16xf32>,
      %parallel_loop3A_656 = tpu.vector_load_idx %arg6[%parallel_loop3A_647] : memref<100000xf32, #tpu.memory_space<vmem>>[vector<16xi32>], vector<16xf32>,
      %parallel_loop3A_657 = arith.subf %parallel_loop3A_655, %parallel_loop3A_656 : vector<16xf32>
      %parallel_loop3A_658 = arith.mulf %parallel_loop3A_657, %parallel_loop3A_657 : vector<16xf32>
      %parallel_loop3A_659 = arith.addf %parallel_loop3A_592, %parallel_loop3A_658 : vector<16xf32>
      %parallel_loop3A_660 = arith.constant 4 : i32
      %parallel_loop3A_661 = arith.muli %parallel_loop3A_660, %parallel_loop3A_589 : i32
      %parallel_loop3A_662 = arith.constant 3 : i32
      %parallel_loop3A_663 = arith.addi %parallel_loop3A_661, %parallel_loop3A_662 : i32
      %parallel_loop3A_664 = arith.constant 16 : i32
      %parallel_loop3A_665 = arith.muli %parallel_loop3A_663, %parallel_loop3A_664 : i32
      %parallel_loop3A_666 = arith.constant 12288 : i32
      %parallel_loop3A_667 = arith.addi %parallel_loop3A_666, %parallel_loop3A_665 : i32
      %parallel_loop3A_668 = arith.index_cast %parallel_loop3A_667 : i32 to index
      %parallel_loop3A_669 = tpu.vector_load %arg9[%parallel_loop3A_668] {strides = array<i32>} : memref<16384xi32, #tpu.memory_space<vmem>>, vector<16xi32>,
      %parallel_loop3A_670 = arith.constant 4 : i32
      %parallel_loop3A_671 = arith.muli %parallel_loop3A_670, %parallel_loop3A_589 : i32
      %parallel_loop3A_672 = arith.constant 3 : i32
      %parallel_loop3A_673 = arith.addi %parallel_loop3A_671, %parallel_loop3A_672 : i32
      %parallel_loop3A_674 = arith.constant 16 : i32
      %parallel_loop3A_675 = arith.muli %parallel_loop3A_673, %parallel_loop3A_674 : i32
      %parallel_loop3A_676 = arith.index_cast %parallel_loop3A_675 : i32 to index
      %parallel_loop3A_677 = tpu.vector_load %arg8[%parallel_loop3A_676] {strides = array<i32>} : memref<4096xf32, #tpu.memory_space<vmem>>, vector<16xf32>,
      %parallel_loop3A_678 = tpu.vector_load_idx %arg6[%parallel_loop3A_669] : memref<100000xf32, #tpu.memory_space<vmem>>[vector<16xi32>], vector<16xf32>,
      %parallel_loop3A_679 = arith.subf %parallel_loop3A_677, %parallel_loop3A_678 : vector<16xf32>
      %parallel_loop3A_680 = arith.mulf %parallel_loop3A_679, %parallel_loop3A_679 : vector<16xf32>
      %parallel_loop3A_681 = arith.addf %parallel_loop3A_593, %parallel_loop3A_680 : vector<16xf32>
      scf.yield %parallel_loop3A_615, %parallel_loop3A_637, %parallel_loop3A_659, %parallel_loop3A_681 : vector<16xf32>, vector<16xf32>, vector<16xf32>, vector<16xf32>
    } {sc.loop_unroll_factor = 2 : i64, sc.parallel_access}
    %jit3A_335 = arith.constant 8 : i32
    %div3A_336 = arith.divsi %add3A_2, %jit3A_335 : i32
    %sign3A_337 = arith.constant 0 : i32
    %sign3A_338 = arith.cmpi sgt, %add3A_2, %sign3A_337 : i32
    %sign3A_339 = arith.extui %sign3A_338 : i1 to i32
    %sign3A_340 = arith.constant 0 : i32
    %sign3A_341 = arith.cmpi slt, %add3A_2, %sign3A_340 : i32
    %sign3A_342 = arith.extui %sign3A_341 : i1 to i32
    %sign3A_343 = arith.subi %sign3A_339, %sign3A_342 : i32
    %sign3A_344 = arith.constant 0 : i32
    %sign3A_345 = arith.cmpi sgt, %jit3A_335, %sign3A_344 : i32
    %sign3A_346 = arith.extui %sign3A_345 : i1 to i32
    %sign3A_347 = arith.constant 0 : i32
    %sign3A_348 = arith.cmpi slt, %jit3A_335, %sign3A_347 : i32
    %sign3A_349 = arith.extui %sign3A_348 : i1 to i32
    %sign3A_350 = arith.subi %sign3A_346, %sign3A_349 : i32
    %ne3A_351 = arith.cmpi ne, %sign3A_343, %sign3A_350 : i32
    %rem3A_352 = arith.remsi %add3A_2, %jit3A_335 : i32
    %ne3A_353 = arith.constant 0 : i32
    %ne3A_354 = arith.cmpi ne, %rem3A_352, %ne3A_353 : i32
    %and3A_355 = arith.andi %ne3A_351, %ne3A_354 : i1
    %sub3A_356 = arith.constant 1 : i32
    %sub3A_357 = arith.subi %div3A_336, %sub3A_356 : i32
    %select_n3A_358 = arith.select %and3A_355, %sub3A_357, %div3A_336 : i32
    %jit3A_359 = arith.constant 8 : i32
    %eq3A_360 = arith.constant 0 : i32
    %eq3A_361 = arith.cmpi eq, %jit3A_359, %eq3A_360 : i32
    %jit3A_362 = arith.constant 1 : i32
    %select_n3A_363 = arith.select %eq3A_361, %jit3A_362, %jit3A_359 : i32
    %rem3A_364 = arith.remsi %add3A_2, %select_n3A_363 : i32
    %ne3A_365 = arith.constant 0 : i32
    %ne3A_366 = arith.cmpi ne, %rem3A_364, %ne3A_365 : i32
    %lt3A_367 = arith.constant 0 : i32
    %lt3A_368 = arith.cmpi slt, %rem3A_364, %lt3A_367 : i32
    %lt3A_369 = arith.constant 0 : i32
    %lt3A_370 = arith.cmpi slt, %select_n3A_363, %lt3A_369 : i32
    %ne3A_371 = arith.xori %lt3A_368, %lt3A_370 : i1
    %and3A_372 = arith.andi %ne3A_371, %ne3A_366 : i1
    %add3A_373 = arith.addi %rem3A_364, %select_n3A_363 : i32
    %select_n3A_374 = arith.select %and3A_372, %add3A_373, %rem3A_364 : i32
    %dma_start3A_375 = tpu.memref_reshape %arg4 : memref<64x100000xf32, #tpu.memory_space<hbm>> -> memref<8x8x100000xf32, #tpu.memory_space<hbm>>
    %dma_start3A_376 = arith.constant 0 : i32
    %dma_start3A_377 = tpu.memref_slice %dma_start3A_375[%select_n3A_358, %select_n3A_374, %dma_start3A_376] : memref<8x8x100000xf32, #tpu.memory_space<hbm>> -> memref<1x1x100000xf32, #tpu.memory_space<hbm>>
    %dma_start3A_378 = tpu.memref_squeeze %dma_start3A_377 : memref<1x1x100000xf32, #tpu.memory_space<hbm>> -> memref<100000xf32, #tpu.memory_space<hbm>>
    %dma_start3A_379 = tpu.memref_reshape %arg4 : memref<64x100000xf32, #tpu.memory_space<hbm>> -> memref<8x8x100000xf32, #tpu.memory_space<hbm>>
    %dma_start3A_380 = arith.constant 0 : i32
    %dma_start3A_381 = tpu.memref_slice %dma_start3A_379[%select_n3A_358, %select_n3A_374, %dma_start3A_380] : memref<8x8x100000xf32, #tpu.memory_space<hbm>> -> memref<1x1x100000xf32, #tpu.memory_space<hbm>>
    %dma_start3A_382 = tpu.memref_squeeze %dma_start3A_381 : memref<1x1x100000xf32, #tpu.memory_space<hbm>> -> memref<100000xf32, #tpu.memory_space<hbm>>
    tpu.enqueue_dma source(%dma_start3A_382 : memref<100000xf32, #tpu.memory_space<hbm>>) target(%arg6 : memref<100000xf32, #tpu.memory_space<vmem>>) target_semaphore(%arg11 : memref<!tpu.dma_semaphore, #tpu.memory_space<semaphore_mem>>)
    %dma_wait3A_383 = tpu.memref_reshape %arg4 : memref<64x100000xf32, #tpu.memory_space<hbm>> -> memref<8x8x100000xf32, #tpu.memory_space<hbm>>
    %dma_wait3A_384 = arith.constant 0 : i32
    %dma_wait3A_385 = tpu.memref_slice %dma_wait3A_383[%select_n3A_358, %select_n3A_374, %dma_wait3A_384] : memref<8x8x100000xf32, #tpu.memory_space<hbm>> -> memref<1x1x100000xf32, #tpu.memory_space<hbm>>
    %dma_wait3A_386 = tpu.memref_squeeze %dma_wait3A_385 : memref<1x1x100000xf32, #tpu.memory_space<hbm>> -> memref<100000xf32, #tpu.memory_space<hbm>>
    %dma_wait3A_387 = tpu.memref_reshape %arg4 : memref<64x100000xf32, #tpu.memory_space<hbm>> -> memref<8x8x100000xf32, #tpu.memory_space<hbm>>
    %dma_wait3A_388 = arith.constant 0 : i32
    %dma_wait3A_389 = tpu.memref_slice %dma_wait3A_387[%select_n3A_358, %select_n3A_374, %dma_wait3A_388] : memref<8x8x100000xf32, #tpu.memory_space<hbm>> -> memref<1x1x100000xf32, #tpu.memory_space<hbm>>
    %dma_wait3A_390 = tpu.memref_squeeze %dma_wait3A_389 : memref<1x1x100000xf32, #tpu.memory_space<hbm>> -> memref<100000xf32, #tpu.memory_space<hbm>>
    tpu.wait_dma2 semaphore(%arg11 : memref<!tpu.dma_semaphore, #tpu.memory_space<semaphore_mem>>) src(%dma_wait3A_390 : memref<100000xf32, #tpu.memory_space<hbm>>) dst(%arg6 : memref<100000xf32, #tpu.memory_space<vmem>>)
    %jit3A_391 = arith.constant 8 : i32
    %div3A_392 = arith.divsi %add3A_2, %jit3A_391 : i32
    %sign3A_393 = arith.constant 0 : i32
    %sign3A_394 = arith.cmpi sgt, %add3A_2, %sign3A_393 : i32
    %sign3A_395 = arith.extui %sign3A_394 : i1 to i32
    %sign3A_396 = arith.constant 0 : i32
    %sign3A_397 = arith.cmpi slt, %add3A_2, %sign3A_396 : i32
    %sign3A_398 = arith.extui %sign3A_397 : i1 to i32
    %sign3A_399 = arith.subi %sign3A_395, %sign3A_398 : i32
    %sign3A_400 = arith.constant 0 : i32
    %sign3A_401 = arith.cmpi sgt, %jit3A_391, %sign3A_400 : i32
    %sign3A_402 = arith.extui %sign3A_401 : i1 to i32
    %sign3A_403 = arith.constant 0 : i32
    %sign3A_404 = arith.cmpi slt, %jit3A_391, %sign3A_403 : i32
    %sign3A_405 = arith.extui %sign3A_404 : i1 to i32
    %sign3A_406 = arith.subi %sign3A_402, %sign3A_405 : i32
    %ne3A_407 = arith.cmpi ne, %sign3A_399, %sign3A_406 : i32
    %rem3A_408 = arith.remsi %add3A_2, %jit3A_391 : i32
    %ne3A_409 = arith.constant 0 : i32
    %ne3A_410 = arith.cmpi ne, %rem3A_408, %ne3A_409 : i32
    %and3A_411 = arith.andi %ne3A_407, %ne3A_410 : i1
    %sub3A_412 = arith.constant 1 : i32
    %sub3A_413 = arith.subi %div3A_392, %sub3A_412 : i32
    %select_n3A_414 = arith.select %and3A_411, %sub3A_413, %div3A_392 : i32
    %jit3A_415 = arith.constant 8 : i32
    %eq3A_416 = arith.constant 0 : i32
    %eq3A_417 = arith.cmpi eq, %jit3A_415, %eq3A_416 : i32
    %jit3A_418 = arith.constant 1 : i32
    %select_n3A_419 = arith.select %eq3A_417, %jit3A_418, %jit3A_415 : i32
    %rem3A_420 = arith.remsi %add3A_2, %select_n3A_419 : i32
    %ne3A_421 = arith.constant 0 : i32
    %ne3A_422 = arith.cmpi ne, %rem3A_420, %ne3A_421 : i32
    %lt3A_423 = arith.constant 0 : i32
    %lt3A_424 = arith.cmpi slt, %rem3A_420, %lt3A_423 : i32
    %lt3A_425 = arith.constant 0 : i32
    %lt3A_426 = arith.cmpi slt, %select_n3A_419, %lt3A_425 : i32
    %ne3A_427 = arith.xori %lt3A_424, %lt3A_426 : i1
    %and3A_428 = arith.andi %ne3A_427, %ne3A_422 : i1
    %add3A_429 = arith.addi %rem3A_420, %select_n3A_419 : i32
    %select_n3A_430 = arith.select %and3A_428, %add3A_429, %rem3A_420 : i32
    %dma_start3A_431 = tpu.memref_reshape %arg2 : memref<64x16384xf32, #tpu.memory_space<hbm>> -> memref<8x8x16384xf32, #tpu.memory_space<hbm>>
    %dma_start3A_432 = arith.constant 4096 : i32
    %dma_start3A_433 = tpu.memref_slice %dma_start3A_431[%select_n3A_414, %select_n3A_430, %dma_start3A_432] : memref<8x8x16384xf32, #tpu.memory_space<hbm>> -> memref<1x1x4096xf32, #tpu.memory_space<hbm>>
    %dma_start3A_434 = tpu.memref_squeeze %dma_start3A_433 : memref<1x1x4096xf32, #tpu.memory_space<hbm>> -> memref<4096xf32, #tpu.memory_space<hbm>>
    %dma_start3A_435 = tpu.memref_reshape %arg2 : memref<64x16384xf32, #tpu.memory_space<hbm>> -> memref<8x8x16384xf32, #tpu.memory_space<hbm>>
    %dma_start3A_436 = arith.constant 4096 : i32
    %dma_start3A_437 = tpu.memref_slice %dma_start3A_435[%select_n3A_414, %select_n3A_430, %dma_start3A_436] : memref<8x8x16384xf32, #tpu.memory_space<hbm>> -> memref<1x1x4096xf32, #tpu.memory_space<hbm>>
    %dma_start3A_438 = tpu.memref_squeeze %dma_start3A_437 : memref<1x1x4096xf32, #tpu.memory_space<hbm>> -> memref<4096xf32, #tpu.memory_space<hbm>>
    tpu.enqueue_dma source(%dma_start3A_438 : memref<4096xf32, #tpu.memory_space<hbm>>) target(%arg8 : memref<4096xf32, #tpu.memory_space<vmem>>) target_semaphore(%arg12 : memref<!tpu.dma_semaphore, #tpu.memory_space<semaphore_mem>>)
    %dma_wait3A_439 = tpu.memref_reshape %arg2 : memref<64x16384xf32, #tpu.memory_space<hbm>> -> memref<8x8x16384xf32, #tpu.memory_space<hbm>>
    %dma_wait3A_440 = arith.constant 0 : i32
    %dma_wait3A_441 = tpu.memref_slice %dma_wait3A_439[%select_n3A_298, %select_n3A_314, %dma_wait3A_440] : memref<8x8x16384xf32, #tpu.memory_space<hbm>> -> memref<1x1x4096xf32, #tpu.memory_space<hbm>>
    %dma_wait3A_442 = tpu.memref_squeeze %dma_wait3A_441 : memref<1x1x4096xf32, #tpu.memory_space<hbm>> -> memref<4096xf32, #tpu.memory_space<hbm>>
    %dma_wait3A_443 = tpu.memref_reshape %arg2 : memref<64x16384xf32, #tpu.memory_space<hbm>> -> memref<8x8x16384xf32, #tpu.memory_space<hbm>>
    %dma_wait3A_444 = arith.constant 0 : i32
    %dma_wait3A_445 = tpu.memref_slice %dma_wait3A_443[%select_n3A_298, %select_n3A_314, %dma_wait3A_444] : memref<8x8x16384xf32, #tpu.memory_space<hbm>> -> memref<1x1x4096xf32, #tpu.memory_space<hbm>>
    %dma_wait3A_446 = tpu.memref_squeeze %dma_wait3A_445 : memref<1x1x4096xf32, #tpu.memory_space<hbm>> -> memref<4096xf32, #tpu.memory_space<hbm>>
    tpu.wait_dma2 semaphore(%arg12 : memref<!tpu.dma_semaphore, #tpu.memory_space<semaphore_mem>>) src(%dma_wait3A_446 : memref<4096xf32, #tpu.memory_space<hbm>>) dst(%arg7 : memref<4096xf32, #tpu.memory_space<vmem>>)
    %parallel_loop3A_447 = arith.constant 0 : i32
    %parallel_loop3A_448 = arith.constant 64 : i32
    %parallel_loop3A_449 = arith.constant 1 : i32
    %parallel_loop3A_450:4 = scf.for %parallel_loop3A_589 = %parallel_loop3A_447 to %parallel_loop3A_448 step %parallel_loop3A_449 iter_args(%parallel_loop3A_590 = %parallel_loop3A_334#0, %parallel_loop3A_591 = %parallel_loop3A_334#1, %parallel_loop3A_592 = %parallel_loop3A_334#2, %parallel_loop3A_593 = %parallel_loop3A_334#3) -> (vector<16xf32>, vector<16xf32>, vector<16xf32>, vector<16xf32>)  : i32 {
      %parallel_loop3A_594 = arith.constant 4 : i32
      %parallel_loop3A_595 = arith.muli %parallel_loop3A_594, %parallel_loop3A_589 : i32
      %parallel_loop3A_596 = arith.constant 0 : i32
      %parallel_loop3A_597 = arith.addi %parallel_loop3A_595, %parallel_loop3A_596 : i32
      %parallel_loop3A_598 = arith.constant 16 : i32
      %parallel_loop3A_599 = arith.muli %parallel_loop3A_597, %parallel_loop3A_598 : i32
      %parallel_loop3A_600 = arith.constant 0 : i32
      %parallel_loop3A_601 = arith.addi %parallel_loop3A_600, %parallel_loop3A_599 : i32
      %parallel_loop3A_602 = arith.index_cast %parallel_loop3A_601 : i32 to index
      %parallel_loop3A_603 = tpu.vector_load %arg9[%parallel_loop3A_602] {strides = array<i32>} : memref<16384xi32, #tpu.memory_space<vmem>>, vector<16xi32>,
      %parallel_loop3A_604 = arith.constant 4 : i32
      %parallel_loop3A_605 = arith.muli %parallel_loop3A_604, %parallel_loop3A_589 : i32
      %parallel_loop3A_606 = arith.constant 0 : i32
      %parallel_loop3A_607 = arith.addi %parallel_loop3A_605, %parallel_loop3A_606 : i32
      %parallel_loop3A_608 = arith.constant 16 : i32
      %parallel_loop3A_609 = arith.muli %parallel_loop3A_607, %parallel_loop3A_608 : i32
      %parallel_loop3A_610 = arith.index_cast %parallel_loop3A_609 : i32 to index
      %parallel_loop3A_611 = tpu.vector_load %arg7[%parallel_loop3A_610] {strides = array<i32>} : memref<4096xf32, #tpu.memory_space<vmem>>, vector<16xf32>,
      %parallel_loop3A_612 = tpu.vector_load_idx %arg6[%parallel_loop3A_603] : memref<100000xf32, #tpu.memory_space<vmem>>[vector<16xi32>], vector<16xf32>,
      %parallel_loop3A_613 = arith.subf %parallel_loop3A_611, %parallel_loop3A_612 : vector<16xf32>
      %parallel_loop3A_614 = arith.mulf %parallel_loop3A_613, %parallel_loop3A_613 : vector<16xf32>
      %parallel_loop3A_615 = arith.addf %parallel_loop3A_590, %parallel_loop3A_614 : vector<16xf32>
      %parallel_loop3A_616 = arith.constant 4 : i32
      %parallel_loop3A_617 = arith.muli %parallel_loop3A_616, %parallel_loop3A_589 : i32
      %parallel_loop3A_618 = arith.constant 1 : i32
      %parallel_loop3A_619 = arith.addi %parallel_loop3A_617, %parallel_loop3A_618 : i32
      %parallel_loop3A_620 = arith.constant 16 : i32
      %parallel_loop3A_621 = arith.muli %parallel_loop3A_619, %parallel_loop3A_620 : i32
      %parallel_loop3A_622 = arith.constant 0 : i32
      %parallel_loop3A_623 = arith.addi %parallel_loop3A_622, %parallel_loop3A_621 : i32
      %parallel_loop3A_624 = arith.index_cast %parallel_loop3A_623 : i32 to index
      %parallel_loop3A_625 = tpu.vector_load %arg9[%parallel_loop3A_624] {strides = array<i32>} : memref<16384xi32, #tpu.memory_space<vmem>>, vector<16xi32>,
      %parallel_loop3A_626 = arith.constant 4 : i32
      %parallel_loop3A_627 = arith.muli %parallel_loop3A_626, %parallel_loop3A_589 : i32
      %parallel_loop3A_628 = arith.constant 1 : i32
      %parallel_loop3A_629 = arith.addi %parallel_loop3A_627, %parallel_loop3A_628 : i32
      %parallel_loop3A_630 = arith.constant 16 : i32
      %parallel_loop3A_631 = arith.muli %parallel_loop3A_629, %parallel_loop3A_630 : i32
      %parallel_loop3A_632 = arith.index_cast %parallel_loop3A_631 : i32 to index
      %parallel_loop3A_633 = tpu.vector_load %arg7[%parallel_loop3A_632] {strides = array<i32>} : memref<4096xf32, #tpu.memory_space<vmem>>, vector<16xf32>,
      %parallel_loop3A_634 = tpu.vector_load_idx %arg6[%parallel_loop3A_625] : memref<100000xf32, #tpu.memory_space<vmem>>[vector<16xi32>], vector<16xf32>,
      %parallel_loop3A_635 = arith.subf %parallel_loop3A_633, %parallel_loop3A_634 : vector<16xf32>
      %parallel_loop3A_636 = arith.mulf %parallel_loop3A_635, %parallel_loop3A_635 : vector<16xf32>
      %parallel_loop3A_637 = arith.addf %parallel_loop3A_591, %parallel_loop3A_636 : vector<16xf32>
      %parallel_loop3A_638 = arith.constant 4 : i32
      %parallel_loop3A_639 = arith.muli %parallel_loop3A_638, %parallel_loop3A_589 : i32
      %parallel_loop3A_640 = arith.constant 2 : i32
      %parallel_loop3A_641 = arith.addi %parallel_loop3A_639, %parallel_loop3A_640 : i32
      %parallel_loop3A_642 = arith.constant 16 : i32
      %parallel_loop3A_643 = arith.muli %parallel_loop3A_641, %parallel_loop3A_642 : i32
      %parallel_loop3A_644 = arith.constant 0 : i32
      %parallel_loop3A_645 = arith.addi %parallel_loop3A_644, %parallel_loop3A_643 : i32
      %parallel_loop3A_646 = arith.index_cast %parallel_loop3A_645 : i32 to index
      %parallel_loop3A_647 = tpu.vector_load %arg9[%parallel_loop3A_646] {strides = array<i32>} : memref<16384xi32, #tpu.memory_space<vmem>>, vector<16xi32>,
      %parallel_loop3A_648 = arith.constant 4 : i32
      %parallel_loop3A_649 = arith.muli %parallel_loop3A_648, %parallel_loop3A_589 : i32
      %parallel_loop3A_650 = arith.constant 2 : i32
      %parallel_loop3A_651 = arith.addi %parallel_loop3A_649, %parallel_loop3A_650 : i32
      %parallel_loop3A_652 = arith.constant 16 : i32
      %parallel_loop3A_653 = arith.muli %parallel_loop3A_651, %parallel_loop3A_652 : i32
      %parallel_loop3A_654 = arith.index_cast %parallel_loop3A_653 : i32 to index
      %parallel_loop3A_655 = tpu.vector_load %arg7[%parallel_loop3A_654] {strides = array<i32>} : memref<4096xf32, #tpu.memory_space<vmem>>, vector<16xf32>,
      %parallel_loop3A_656 = tpu.vector_load_idx %arg6[%parallel_loop3A_647] : memref<100000xf32, #tpu.memory_space<vmem>>[vector<16xi32>], vector<16xf32>,
      %parallel_loop3A_657 = arith.subf %parallel_loop3A_655, %parallel_loop3A_656 : vector<16xf32>
      %parallel_loop3A_658 = arith.mulf %parallel_loop3A_657, %parallel_loop3A_657 : vector<16xf32>
      %parallel_loop3A_659 = arith.addf %parallel_loop3A_592, %parallel_loop3A_658 : vector<16xf32>
      %parallel_loop3A_660 = arith.constant 4 : i32
      %parallel_loop3A_661 = arith.muli %parallel_loop3A_660, %parallel_loop3A_589 : i32
      %parallel_loop3A_662 = arith.constant 3 : i32
      %parallel_loop3A_663 = arith.addi %parallel_loop3A_661, %parallel_loop3A_662 : i32
      %parallel_loop3A_664 = arith.constant 16 : i32
      %parallel_loop3A_665 = arith.muli %parallel_loop3A_663, %parallel_loop3A_664 : i32
      %parallel_loop3A_666 = arith.constant 0 : i32
      %parallel_loop3A_667 = arith.addi %parallel_loop3A_666, %parallel_loop3A_665 : i32
      %parallel_loop3A_668 = arith.index_cast %parallel_loop3A_667 : i32 to index
      %parallel_loop3A_669 = tpu.vector_load %arg9[%parallel_loop3A_668] {strides = array<i32>} : memref<16384xi32, #tpu.memory_space<vmem>>, vector<16xi32>,
      %parallel_loop3A_670 = arith.constant 4 : i32
      %parallel_loop3A_671 = arith.muli %parallel_loop3A_670, %parallel_loop3A_589 : i32
      %parallel_loop3A_672 = arith.constant 3 : i32
      %parallel_loop3A_673 = arith.addi %parallel_loop3A_671, %parallel_loop3A_672 : i32
      %parallel_loop3A_674 = arith.constant 16 : i32
      %parallel_loop3A_675 = arith.muli %parallel_loop3A_673, %parallel_loop3A_674 : i32
      %parallel_loop3A_676 = arith.index_cast %parallel_loop3A_675 : i32 to index
      %parallel_loop3A_677 = tpu.vector_load %arg7[%parallel_loop3A_676] {strides = array<i32>} : memref<4096xf32, #tpu.memory_space<vmem>>, vector<16xf32>,
      %parallel_loop3A_678 = tpu.vector_load_idx %arg6[%parallel_loop3A_669] : memref<100000xf32, #tpu.memory_space<vmem>>[vector<16xi32>], vector<16xf32>,
      %parallel_loop3A_679 = arith.subf %parallel_loop3A_677, %parallel_loop3A_678 : vector<16xf32>
      %parallel_loop3A_680 = arith.mulf %parallel_loop3A_679, %parallel_loop3A_679 : vector<16xf32>
      %parallel_loop3A_681 = arith.addf %parallel_loop3A_593, %parallel_loop3A_680 : vector<16xf32>
      scf.yield %parallel_loop3A_615, %parallel_loop3A_637, %parallel_loop3A_659, %parallel_loop3A_681 : vector<16xf32>, vector<16xf32>, vector<16xf32>, vector<16xf32>
    } {sc.loop_unroll_factor = 2 : i64, sc.parallel_access}
    %jit3A_451 = arith.constant 8 : i32
    %div3A_452 = arith.divsi %add3A_2, %jit3A_451 : i32
    %sign3A_453 = arith.constant 0 : i32
    %sign3A_454 = arith.cmpi sgt, %add3A_2, %sign3A_453 : i32
    %sign3A_455 = arith.extui %sign3A_454 : i1 to i32
    %sign3A_456 = arith.constant 0 : i32
    %sign3A_457 = arith.cmpi slt, %add3A_2, %sign3A_456 : i32
    %sign3A_458 = arith.extui %sign3A_457 : i1 to i32
    %sign3A_459 = arith.subi %sign3A_455, %sign3A_458 : i32
    %sign3A_460 = arith.constant 0 : i32
    %sign3A_461 = arith.cmpi sgt, %jit3A_451, %sign3A_460 : i32
    %sign3A_462 = arith.extui %sign3A_461 : i1 to i32
    %sign3A_463 = arith.constant 0 : i32
    %sign3A_464 = arith.cmpi slt, %jit3A_451, %sign3A_463 : i32
    %sign3A_465 = arith.extui %sign3A_464 : i1 to i32
    %sign3A_466 = arith.subi %sign3A_462, %sign3A_465 : i32
    %ne3A_467 = arith.cmpi ne, %sign3A_459, %sign3A_466 : i32
    %rem3A_468 = arith.remsi %add3A_2, %jit3A_451 : i32
    %ne3A_469 = arith.constant 0 : i32
    %ne3A_470 = arith.cmpi ne, %rem3A_468, %ne3A_469 : i32
    %and3A_471 = arith.andi %ne3A_467, %ne3A_470 : i1
    %sub3A_472 = arith.constant 1 : i32
    %sub3A_473 = arith.subi %div3A_452, %sub3A_472 : i32
    %select_n3A_474 = arith.select %and3A_471, %sub3A_473, %div3A_452 : i32
    %jit3A_475 = arith.constant 8 : i32
    %eq3A_476 = arith.constant 0 : i32
    %eq3A_477 = arith.cmpi eq, %jit3A_475, %eq3A_476 : i32
    %jit3A_478 = arith.constant 1 : i32
    %select_n3A_479 = arith.select %eq3A_477, %jit3A_478, %jit3A_475 : i32
    %rem3A_480 = arith.remsi %add3A_2, %select_n3A_479 : i32
    %ne3A_481 = arith.constant 0 : i32
    %ne3A_482 = arith.cmpi ne, %rem3A_480, %ne3A_481 : i32
    %lt3A_483 = arith.constant 0 : i32
    %lt3A_484 = arith.cmpi slt, %rem3A_480, %lt3A_483 : i32
    %lt3A_485 = arith.constant 0 : i32
    %lt3A_486 = arith.cmpi slt, %select_n3A_479, %lt3A_485 : i32
    %ne3A_487 = arith.xori %lt3A_484, %lt3A_486 : i1
    %and3A_488 = arith.andi %ne3A_487, %ne3A_482 : i1
    %add3A_489 = arith.addi %rem3A_480, %select_n3A_479 : i32
    %select_n3A_490 = arith.select %and3A_488, %add3A_489, %rem3A_480 : i32
    %dma_start3A_491 = tpu.memref_reshape %arg2 : memref<64x16384xf32, #tpu.memory_space<hbm>> -> memref<8x8x16384xf32, #tpu.memory_space<hbm>>
    %dma_start3A_492 = arith.constant 8192 : i32
    %dma_start3A_493 = tpu.memref_slice %dma_start3A_491[%select_n3A_474, %select_n3A_490, %dma_start3A_492] : memref<8x8x16384xf32, #tpu.memory_space<hbm>> -> memref<1x1x4096xf32, #tpu.memory_space<hbm>>
    %dma_start3A_494 = tpu.memref_squeeze %dma_start3A_493 : memref<1x1x4096xf32, #tpu.memory_space<hbm>> -> memref<4096xf32, #tpu.memory_space<hbm>>
    %dma_start3A_495 = tpu.memref_reshape %arg2 : memref<64x16384xf32, #tpu.memory_space<hbm>> -> memref<8x8x16384xf32, #tpu.memory_space<hbm>>
    %dma_start3A_496 = arith.constant 8192 : i32
    %dma_start3A_497 = tpu.memref_slice %dma_start3A_495[%select_n3A_474, %select_n3A_490, %dma_start3A_496] : memref<8x8x16384xf32, #tpu.memory_space<hbm>> -> memref<1x1x4096xf32, #tpu.memory_space<hbm>>
    %dma_start3A_498 = tpu.memref_squeeze %dma_start3A_497 : memref<1x1x4096xf32, #tpu.memory_space<hbm>> -> memref<4096xf32, #tpu.memory_space<hbm>>
    tpu.enqueue_dma source(%dma_start3A_498 : memref<4096xf32, #tpu.memory_space<hbm>>) target(%arg7 : memref<4096xf32, #tpu.memory_space<vmem>>) target_semaphore(%arg12 : memref<!tpu.dma_semaphore, #tpu.memory_space<semaphore_mem>>)
    %dma_wait3A_499 = tpu.memref_reshape %arg2 : memref<64x16384xf32, #tpu.memory_space<hbm>> -> memref<8x8x16384xf32, #tpu.memory_space<hbm>>
    %dma_wait3A_500 = arith.constant 4096 : i32
    %dma_wait3A_501 = tpu.memref_slice %dma_wait3A_499[%select_n3A_414, %select_n3A_430, %dma_wait3A_500] : memref<8x8x16384xf32, #tpu.memory_space<hbm>> -> memref<1x1x4096xf32, #tpu.memory_space<hbm>>
    %dma_wait3A_502 = tpu.memref_squeeze %dma_wait3A_501 : memref<1x1x4096xf32, #tpu.memory_space<hbm>> -> memref<4096xf32, #tpu.memory_space<hbm>>
    %dma_wait3A_503 = tpu.memref_reshape %arg2 : memref<64x16384xf32, #tpu.memory_space<hbm>> -> memref<8x8x16384xf32, #tpu.memory_space<hbm>>
    %dma_wait3A_504 = arith.constant 4096 : i32
    %dma_wait3A_505 = tpu.memref_slice %dma_wait3A_503[%select_n3A_414, %select_n3A_430, %dma_wait3A_504] : memref<8x8x16384xf32, #tpu.memory_space<hbm>> -> memref<1x1x4096xf32, #tpu.memory_space<hbm>>
    %dma_wait3A_506 = tpu.memref_squeeze %dma_wait3A_505 : memref<1x1x4096xf32, #tpu.memory_space<hbm>> -> memref<4096xf32, #tpu.memory_space<hbm>>
    tpu.wait_dma2 semaphore(%arg12 : memref<!tpu.dma_semaphore, #tpu.memory_space<semaphore_mem>>) src(%dma_wait3A_506 : memref<4096xf32, #tpu.memory_space<hbm>>) dst(%arg8 : memref<4096xf32, #tpu.memory_space<vmem>>)
    %parallel_loop3A_507 = arith.constant 0 : i32
    %parallel_loop3A_508 = arith.constant 64 : i32
    %parallel_loop3A_509 = arith.constant 1 : i32
    %parallel_loop3A_510:4 = scf.for %parallel_loop3A_589 = %parallel_loop3A_507 to %parallel_loop3A_508 step %parallel_loop3A_509 iter_args(%parallel_loop3A_590 = %parallel_loop3A_450#0, %parallel_loop3A_591 = %parallel_loop3A_450#1, %parallel_loop3A_592 = %parallel_loop3A_450#2, %parallel_loop3A_593 = %parallel_loop3A_450#3) -> (vector<16xf32>, vector<16xf32>, vector<16xf32>, vector<16xf32>)  : i32 {
      %parallel_loop3A_594 = arith.constant 4 : i32
      %parallel_loop3A_595 = arith.muli %parallel_loop3A_594, %parallel_loop3A_589 : i32
      %parallel_loop3A_596 = arith.constant 0 : i32
      %parallel_loop3A_597 = arith.addi %parallel_loop3A_595, %parallel_loop3A_596 : i32
      %parallel_loop3A_598 = arith.constant 16 : i32
      %parallel_loop3A_599 = arith.muli %parallel_loop3A_597, %parallel_loop3A_598 : i32
      %parallel_loop3A_600 = arith.constant 4096 : i32
      %parallel_loop3A_601 = arith.addi %parallel_loop3A_600, %parallel_loop3A_599 : i32
      %parallel_loop3A_602 = arith.index_cast %parallel_loop3A_601 : i32 to index
      %parallel_loop3A_603 = tpu.vector_load %arg9[%parallel_loop3A_602] {strides = array<i32>} : memref<16384xi32, #tpu.memory_space<vmem>>, vector<16xi32>,
      %parallel_loop3A_604 = arith.constant 4 : i32
      %parallel_loop3A_605 = arith.muli %parallel_loop3A_604, %parallel_loop3A_589 : i32
      %parallel_loop3A_606 = arith.constant 0 : i32
      %parallel_loop3A_607 = arith.addi %parallel_loop3A_605, %parallel_loop3A_606 : i32
      %parallel_loop3A_608 = arith.constant 16 : i32
      %parallel_loop3A_609 = arith.muli %parallel_loop3A_607, %parallel_loop3A_608 : i32
      %parallel_loop3A_610 = arith.index_cast %parallel_loop3A_609 : i32 to index
      %parallel_loop3A_611 = tpu.vector_load %arg8[%parallel_loop3A_610] {strides = array<i32>} : memref<4096xf32, #tpu.memory_space<vmem>>, vector<16xf32>,
      %parallel_loop3A_612 = tpu.vector_load_idx %arg6[%parallel_loop3A_603] : memref<100000xf32, #tpu.memory_space<vmem>>[vector<16xi32>], vector<16xf32>,
      %parallel_loop3A_613 = arith.subf %parallel_loop3A_611, %parallel_loop3A_612 : vector<16xf32>
      %parallel_loop3A_614 = arith.mulf %parallel_loop3A_613, %parallel_loop3A_613 : vector<16xf32>
      %parallel_loop3A_615 = arith.addf %parallel_loop3A_590, %parallel_loop3A_614 : vector<16xf32>
      %parallel_loop3A_616 = arith.constant 4 : i32
      %parallel_loop3A_617 = arith.muli %parallel_loop3A_616, %parallel_loop3A_589 : i32
      %parallel_loop3A_618 = arith.constant 1 : i32
      %parallel_loop3A_619 = arith.addi %parallel_loop3A_617, %parallel_loop3A_618 : i32
      %parallel_loop3A_620 = arith.constant 16 : i32
      %parallel_loop3A_621 = arith.muli %parallel_loop3A_619, %parallel_loop3A_620 : i32
      %parallel_loop3A_622 = arith.constant 4096 : i32
      %parallel_loop3A_623 = arith.addi %parallel_loop3A_622, %parallel_loop3A_621 : i32
      %parallel_loop3A_624 = arith.index_cast %parallel_loop3A_623 : i32 to index
      %parallel_loop3A_625 = tpu.vector_load %arg9[%parallel_loop3A_624] {strides = array<i32>} : memref<16384xi32, #tpu.memory_space<vmem>>, vector<16xi32>,
      %parallel_loop3A_626 = arith.constant 4 : i32
      %parallel_loop3A_627 = arith.muli %parallel_loop3A_626, %parallel_loop3A_589 : i32
      %parallel_loop3A_628 = arith.constant 1 : i32
      %parallel_loop3A_629 = arith.addi %parallel_loop3A_627, %parallel_loop3A_628 : i32
      %parallel_loop3A_630 = arith.constant 16 : i32
      %parallel_loop3A_631 = arith.muli %parallel_loop3A_629, %parallel_loop3A_630 : i32
      %parallel_loop3A_632 = arith.index_cast %parallel_loop3A_631 : i32 to index
      %parallel_loop3A_633 = tpu.vector_load %arg8[%parallel_loop3A_632] {strides = array<i32>} : memref<4096xf32, #tpu.memory_space<vmem>>, vector<16xf32>,
      %parallel_loop3A_634 = tpu.vector_load_idx %arg6[%parallel_loop3A_625] : memref<100000xf32, #tpu.memory_space<vmem>>[vector<16xi32>], vector<16xf32>,
      %parallel_loop3A_635 = arith.subf %parallel_loop3A_633, %parallel_loop3A_634 : vector<16xf32>
      %parallel_loop3A_636 = arith.mulf %parallel_loop3A_635, %parallel_loop3A_635 : vector<16xf32>
      %parallel_loop3A_637 = arith.addf %parallel_loop3A_591, %parallel_loop3A_636 : vector<16xf32>
      %parallel_loop3A_638 = arith.constant 4 : i32
      %parallel_loop3A_639 = arith.muli %parallel_loop3A_638, %parallel_loop3A_589 : i32
      %parallel_loop3A_640 = arith.constant 2 : i32
      %parallel_loop3A_641 = arith.addi %parallel_loop3A_639, %parallel_loop3A_640 : i32
      %parallel_loop3A_642 = arith.constant 16 : i32
      %parallel_loop3A_643 = arith.muli %parallel_loop3A_641, %parallel_loop3A_642 : i32
      %parallel_loop3A_644 = arith.constant 4096 : i32
      %parallel_loop3A_645 = arith.addi %parallel_loop3A_644, %parallel_loop3A_643 : i32
      %parallel_loop3A_646 = arith.index_cast %parallel_loop3A_645 : i32 to index
      %parallel_loop3A_647 = tpu.vector_load %arg9[%parallel_loop3A_646] {strides = array<i32>} : memref<16384xi32, #tpu.memory_space<vmem>>, vector<16xi32>,
      %parallel_loop3A_648 = arith.constant 4 : i32
      %parallel_loop3A_649 = arith.muli %parallel_loop3A_648, %parallel_loop3A_589 : i32
      %parallel_loop3A_650 = arith.constant 2 : i32
      %parallel_loop3A_651 = arith.addi %parallel_loop3A_649, %parallel_loop3A_650 : i32
      %parallel_loop3A_652 = arith.constant 16 : i32
      %parallel_loop3A_653 = arith.muli %parallel_loop3A_651, %parallel_loop3A_652 : i32
      %parallel_loop3A_654 = arith.index_cast %parallel_loop3A_653 : i32 to index
      %parallel_loop3A_655 = tpu.vector_load %arg8[%parallel_loop3A_654] {strides = array<i32>} : memref<4096xf32, #tpu.memory_space<vmem>>, vector<16xf32>,
      %parallel_loop3A_656 = tpu.vector_load_idx %arg6[%parallel_loop3A_647] : memref<100000xf32, #tpu.memory_space<vmem>>[vector<16xi32>], vector<16xf32>,
      %parallel_loop3A_657 = arith.subf %parallel_loop3A_655, %parallel_loop3A_656 : vector<16xf32>
      %parallel_loop3A_658 = arith.mulf %parallel_loop3A_657, %parallel_loop3A_657 : vector<16xf32>
      %parallel_loop3A_659 = arith.addf %parallel_loop3A_592, %parallel_loop3A_658 : vector<16xf32>
      %parallel_loop3A_660 = arith.constant 4 : i32
      %parallel_loop3A_661 = arith.muli %parallel_loop3A_660, %parallel_loop3A_589 : i32
      %parallel_loop3A_662 = arith.constant 3 : i32
      %parallel_loop3A_663 = arith.addi %parallel_loop3A_661, %parallel_loop3A_662 : i32
      %parallel_loop3A_664 = arith.constant 16 : i32
      %parallel_loop3A_665 = arith.muli %parallel_loop3A_663, %parallel_loop3A_664 : i32
      %parallel_loop3A_666 = arith.constant 4096 : i32
      %parallel_loop3A_667 = arith.addi %parallel_loop3A_666, %parallel_loop3A_665 : i32
      %parallel_loop3A_668 = arith.index_cast %parallel_loop3A_667 : i32 to index
      %parallel_loop3A_669 = tpu.vector_load %arg9[%parallel_loop3A_668] {strides = array<i32>} : memref<16384xi32, #tpu.memory_space<vmem>>, vector<16xi32>,
      %parallel_loop3A_670 = arith.constant 4 : i32
      %parallel_loop3A_671 = arith.muli %parallel_loop3A_670, %parallel_loop3A_589 : i32
      %parallel_loop3A_672 = arith.constant 3 : i32
      %parallel_loop3A_673 = arith.addi %parallel_loop3A_671, %parallel_loop3A_672 : i32
      %parallel_loop3A_674 = arith.constant 16 : i32
      %parallel_loop3A_675 = arith.muli %parallel_loop3A_673, %parallel_loop3A_674 : i32
      %parallel_loop3A_676 = arith.index_cast %parallel_loop3A_675 : i32 to index
      %parallel_loop3A_677 = tpu.vector_load %arg8[%parallel_loop3A_676] {strides = array<i32>} : memref<4096xf32, #tpu.memory_space<vmem>>, vector<16xf32>,
      %parallel_loop3A_678 = tpu.vector_load_idx %arg6[%parallel_loop3A_669] : memref<100000xf32, #tpu.memory_space<vmem>>[vector<16xi32>], vector<16xf32>,
      %parallel_loop3A_679 = arith.subf %parallel_loop3A_677, %parallel_loop3A_678 : vector<16xf32>
      %parallel_loop3A_680 = arith.mulf %parallel_loop3A_679, %parallel_loop3A_679 : vector<16xf32>
      %parallel_loop3A_681 = arith.addf %parallel_loop3A_593, %parallel_loop3A_680 : vector<16xf32>
      scf.yield %parallel_loop3A_615, %parallel_loop3A_637, %parallel_loop3A_659, %parallel_loop3A_681 : vector<16xf32>, vector<16xf32>, vector<16xf32>, vector<16xf32>
    } {sc.loop_unroll_factor = 2 : i64, sc.parallel_access}
    %jit3A_511 = arith.constant 8 : i32
    %div3A_512 = arith.divsi %add3A_2, %jit3A_511 : i32
    %sign3A_513 = arith.constant 0 : i32
    %sign3A_514 = arith.cmpi sgt, %add3A_2, %sign3A_513 : i32
    %sign3A_515 = arith.extui %sign3A_514 : i1 to i32
    %sign3A_516 = arith.constant 0 : i32
    %sign3A_517 = arith.cmpi slt, %add3A_2, %sign3A_516 : i32
    %sign3A_518 = arith.extui %sign3A_517 : i1 to i32
    %sign3A_519 = arith.subi %sign3A_515, %sign3A_518 : i32
    %sign3A_520 = arith.constant 0 : i32
    %sign3A_521 = arith.cmpi sgt, %jit3A_511, %sign3A_520 : i32
    %sign3A_522 = arith.extui %sign3A_521 : i1 to i32
    %sign3A_523 = arith.constant 0 : i32
    %sign3A_524 = arith.cmpi slt, %jit3A_511, %sign3A_523 : i32
    %sign3A_525 = arith.extui %sign3A_524 : i1 to i32
    %sign3A_526 = arith.subi %sign3A_522, %sign3A_525 : i32
    %ne3A_527 = arith.cmpi ne, %sign3A_519, %sign3A_526 : i32
    %rem3A_528 = arith.remsi %add3A_2, %jit3A_511 : i32
    %ne3A_529 = arith.constant 0 : i32
    %ne3A_530 = arith.cmpi ne, %rem3A_528, %ne3A_529 : i32
    %and3A_531 = arith.andi %ne3A_527, %ne3A_530 : i1
    %sub3A_532 = arith.constant 1 : i32
    %sub3A_533 = arith.subi %div3A_512, %sub3A_532 : i32
    %select_n3A_534 = arith.select %and3A_531, %sub3A_533, %div3A_512 : i32
    %jit3A_535 = arith.constant 8 : i32
    %eq3A_536 = arith.constant 0 : i32
    %eq3A_537 = arith.cmpi eq, %jit3A_535, %eq3A_536 : i32
    %jit3A_538 = arith.constant 1 : i32
    %select_n3A_539 = arith.select %eq3A_537, %jit3A_538, %jit3A_535 : i32
    %rem3A_540 = arith.remsi %add3A_2, %select_n3A_539 : i32
    %ne3A_541 = arith.constant 0 : i32
    %ne3A_542 = arith.cmpi ne, %rem3A_540, %ne3A_541 : i32
    %lt3A_543 = arith.constant 0 : i32
    %lt3A_544 = arith.cmpi slt, %rem3A_540, %lt3A_543 : i32
    %lt3A_545 = arith.constant 0 : i32
    %lt3A_546 = arith.cmpi slt, %select_n3A_539, %lt3A_545 : i32
    %ne3A_547 = arith.xori %lt3A_544, %lt3A_546 : i1
    %and3A_548 = arith.andi %ne3A_547, %ne3A_542 : i1
    %add3A_549 = arith.addi %rem3A_540, %select_n3A_539 : i32
    %select_n3A_550 = arith.select %and3A_548, %add3A_549, %rem3A_540 : i32
    %dma_start3A_551 = tpu.memref_reshape %arg2 : memref<64x16384xf32, #tpu.memory_space<hbm>> -> memref<8x8x16384xf32, #tpu.memory_space<hbm>>
    %dma_start3A_552 = arith.constant 12288 : i32
    %dma_start3A_553 = tpu.memref_slice %dma_start3A_551[%select_n3A_534, %select_n3A_550, %dma_start3A_552] : memref<8x8x16384xf32, #tpu.memory_space<hbm>> -> memref<1x1x4096xf32, #tpu.memory_space<hbm>>
    %dma_start3A_554 = tpu.memref_squeeze %dma_start3A_553 : memref<1x1x4096xf32, #tpu.memory_space<hbm>> -> memref<4096xf32, #tpu.memory_space<hbm>>
    %dma_start3A_555 = tpu.memref_reshape %arg2 : memref<64x16384xf32, #tpu.memory_space<hbm>> -> memref<8x8x16384xf32, #tpu.memory_space<hbm>>
    %dma_start3A_556 = arith.constant 12288 : i32
    %dma_start3A_557 = tpu.memref_slice %dma_start3A_555[%select_n3A_534, %select_n3A_550, %dma_start3A_556] : memref<8x8x16384xf32, #tpu.memory_space<hbm>> -> memref<1x1x4096xf32, #tpu.memory_space<hbm>>
    %dma_start3A_558 = tpu.memref_squeeze %dma_start3A_557 : memref<1x1x4096xf32, #tpu.memory_space<hbm>> -> memref<4096xf32, #tpu.memory_space<hbm>>
    tpu.enqueue_dma source(%dma_start3A_558 : memref<4096xf32, #tpu.memory_space<hbm>>) target(%arg8 : memref<4096xf32, #tpu.memory_space<vmem>>) target_semaphore(%arg12 : memref<!tpu.dma_semaphore, #tpu.memory_space<semaphore_mem>>)
    %dma_wait3A_559 = tpu.memref_reshape %arg2 : memref<64x16384xf32, #tpu.memory_space<hbm>> -> memref<8x8x16384xf32, #tpu.memory_space<hbm>>
    %dma_wait3A_560 = arith.constant 8192 : i32
    %dma_wait3A_561 = tpu.memref_slice %dma_wait3A_559[%select_n3A_474, %select_n3A_490, %dma_wait3A_560] : memref<8x8x16384xf32, #tpu.memory_space<hbm>> -> memref<1x1x4096xf32, #tpu.memory_space<hbm>>
    %dma_wait3A_562 = tpu.memref_squeeze %dma_wait3A_561 : memref<1x1x4096xf32, #tpu.memory_space<hbm>> -> memref<4096xf32, #tpu.memory_space<hbm>>
    %dma_wait3A_563 = tpu.memref_reshape %arg2 : memref<64x16384xf32, #tpu.memory_space<hbm>> -> memref<8x8x16384xf32, #tpu.memory_space<hbm>>
    %dma_wait3A_564 = arith.constant 8192 : i32
    %dma_wait3A_565 = tpu.memref_slice %dma_wait3A_563[%select_n3A_474, %select_n3A_490, %dma_wait3A_564] : memref<8x8x16384xf32, #tpu.memory_space<hbm>> -> memref<1x1x4096xf32, #tpu.memory_space<hbm>>
    %dma_wait3A_566 = tpu.memref_squeeze %dma_wait3A_565 : memref<1x1x4096xf32, #tpu.memory_space<hbm>> -> memref<4096xf32, #tpu.memory_space<hbm>>
    tpu.wait_dma2 semaphore(%arg12 : memref<!tpu.dma_semaphore, #tpu.memory_space<semaphore_mem>>) src(%dma_wait3A_566 : memref<4096xf32, #tpu.memory_space<hbm>>) dst(%arg7 : memref<4096xf32, #tpu.memory_space<vmem>>)
    %parallel_loop3A_567 = arith.constant 0 : i32
    %parallel_loop3A_568 = arith.constant 64 : i32
    %parallel_loop3A_569 = arith.constant 1 : i32
    %parallel_loop3A_570:4 = scf.for %parallel_loop3A_589 = %parallel_loop3A_567 to %parallel_loop3A_568 step %parallel_loop3A_569 iter_args(%parallel_loop3A_590 = %parallel_loop3A_510#0, %parallel_loop3A_591 = %parallel_loop3A_510#1, %parallel_loop3A_592 = %parallel_loop3A_510#2, %parallel_loop3A_593 = %parallel_loop3A_510#3) -> (vector<16xf32>, vector<16xf32>, vector<16xf32>, vector<16xf32>)  : i32 {
      %parallel_loop3A_594 = arith.constant 4 : i32
      %parallel_loop3A_595 = arith.muli %parallel_loop3A_594, %parallel_loop3A_589 : i32
      %parallel_loop3A_596 = arith.constant 0 : i32
      %parallel_loop3A_597 = arith.addi %parallel_loop3A_595, %parallel_loop3A_596 : i32
      %parallel_loop3A_598 = arith.constant 16 : i32
      %parallel_loop3A_599 = arith.muli %parallel_loop3A_597, %parallel_loop3A_598 : i32
      %parallel_loop3A_600 = arith.constant 8192 : i32
      %parallel_loop3A_601 = arith.addi %parallel_loop3A_600, %parallel_loop3A_599 : i32
      %parallel_loop3A_602 = arith.index_cast %parallel_loop3A_601 : i32 to index
      %parallel_loop3A_603 = tpu.vector_load %arg9[%parallel_loop3A_602] {strides = array<i32>} : memref<16384xi32, #tpu.memory_space<vmem>>, vector<16xi32>,
      %parallel_loop3A_604 = arith.constant 4 : i32
      %parallel_loop3A_605 = arith.muli %parallel_loop3A_604, %parallel_loop3A_589 : i32
      %parallel_loop3A_606 = arith.constant 0 : i32
      %parallel_loop3A_607 = arith.addi %parallel_loop3A_605, %parallel_loop3A_606 : i32
      %parallel_loop3A_608 = arith.constant 16 : i32
      %parallel_loop3A_609 = arith.muli %parallel_loop3A_607, %parallel_loop3A_608 : i32
      %parallel_loop3A_610 = arith.index_cast %parallel_loop3A_609 : i32 to index
      %parallel_loop3A_611 = tpu.vector_load %arg7[%parallel_loop3A_610] {strides = array<i32>} : memref<4096xf32, #tpu.memory_space<vmem>>, vector<16xf32>,
      %parallel_loop3A_612 = tpu.vector_load_idx %arg6[%parallel_loop3A_603] : memref<100000xf32, #tpu.memory_space<vmem>>[vector<16xi32>], vector<16xf32>,
      %parallel_loop3A_613 = arith.subf %parallel_loop3A_611, %parallel_loop3A_612 : vector<16xf32>
      %parallel_loop3A_614 = arith.mulf %parallel_loop3A_613, %parallel_loop3A_613 : vector<16xf32>
      %parallel_loop3A_615 = arith.addf %parallel_loop3A_590, %parallel_loop3A_614 : vector<16xf32>
      %parallel_loop3A_616 = arith.constant 4 : i32
      %parallel_loop3A_617 = arith.muli %parallel_loop3A_616, %parallel_loop3A_589 : i32
      %parallel_loop3A_618 = arith.constant 1 : i32
      %parallel_loop3A_619 = arith.addi %parallel_loop3A_617, %parallel_loop3A_618 : i32
      %parallel_loop3A_620 = arith.constant 16 : i32
      %parallel_loop3A_621 = arith.muli %parallel_loop3A_619, %parallel_loop3A_620 : i32
      %parallel_loop3A_622 = arith.constant 8192 : i32
      %parallel_loop3A_623 = arith.addi %parallel_loop3A_622, %parallel_loop3A_621 : i32
      %parallel_loop3A_624 = arith.index_cast %parallel_loop3A_623 : i32 to index
      %parallel_loop3A_625 = tpu.vector_load %arg9[%parallel_loop3A_624] {strides = array<i32>} : memref<16384xi32, #tpu.memory_space<vmem>>, vector<16xi32>,
      %parallel_loop3A_626 = arith.constant 4 : i32
      %parallel_loop3A_627 = arith.muli %parallel_loop3A_626, %parallel_loop3A_589 : i32
      %parallel_loop3A_628 = arith.constant 1 : i32
      %parallel_loop3A_629 = arith.addi %parallel_loop3A_627, %parallel_loop3A_628 : i32
      %parallel_loop3A_630 = arith.constant 16 : i32
      %parallel_loop3A_631 = arith.muli %parallel_loop3A_629, %parallel_loop3A_630 : i32
      %parallel_loop3A_632 = arith.index_cast %parallel_loop3A_631 : i32 to index
      %parallel_loop3A_633 = tpu.vector_load %arg7[%parallel_loop3A_632] {strides = array<i32>} : memref<4096xf32, #tpu.memory_space<vmem>>, vector<16xf32>,
      %parallel_loop3A_634 = tpu.vector_load_idx %arg6[%parallel_loop3A_625] : memref<100000xf32, #tpu.memory_space<vmem>>[vector<16xi32>], vector<16xf32>,
      %parallel_loop3A_635 = arith.subf %parallel_loop3A_633, %parallel_loop3A_634 : vector<16xf32>
      %parallel_loop3A_636 = arith.mulf %parallel_loop3A_635, %parallel_loop3A_635 : vector<16xf32>
      %parallel_loop3A_637 = arith.addf %parallel_loop3A_591, %parallel_loop3A_636 : vector<16xf32>
      %parallel_loop3A_638 = arith.constant 4 : i32
      %parallel_loop3A_639 = arith.muli %parallel_loop3A_638, %parallel_loop3A_589 : i32
      %parallel_loop3A_640 = arith.constant 2 : i32
      %parallel_loop3A_641 = arith.addi %parallel_loop3A_639, %parallel_loop3A_640 : i32
      %parallel_loop3A_642 = arith.constant 16 : i32
      %parallel_loop3A_643 = arith.muli %parallel_loop3A_641, %parallel_loop3A_642 : i32
      %parallel_loop3A_644 = arith.constant 8192 : i32
      %parallel_loop3A_645 = arith.addi %parallel_loop3A_644, %parallel_loop3A_643 : i32
      %parallel_loop3A_646 = arith.index_cast %parallel_loop3A_645 : i32 to index
      %parallel_loop3A_647 = tpu.vector_load %arg9[%parallel_loop3A_646] {strides = array<i32>} : memref<16384xi32, #tpu.memory_space<vmem>>, vector<16xi32>,
      %parallel_loop3A_648 = arith.constant 4 : i32
      %parallel_loop3A_649 = arith.muli %parallel_loop3A_648, %parallel_loop3A_589 : i32
      %parallel_loop3A_650 = arith.constant 2 : i32
      %parallel_loop3A_651 = arith.addi %parallel_loop3A_649, %parallel_loop3A_650 : i32
      %parallel_loop3A_652 = arith.constant 16 : i32
      %parallel_loop3A_653 = arith.muli %parallel_loop3A_651, %parallel_loop3A_652 : i32
      %parallel_loop3A_654 = arith.index_cast %parallel_loop3A_653 : i32 to index
      %parallel_loop3A_655 = tpu.vector_load %arg7[%parallel_loop3A_654] {strides = array<i32>} : memref<4096xf32, #tpu.memory_space<vmem>>, vector<16xf32>,
      %parallel_loop3A_656 = tpu.vector_load_idx %arg6[%parallel_loop3A_647] : memref<100000xf32, #tpu.memory_space<vmem>>[vector<16xi32>], vector<16xf32>,
      %parallel_loop3A_657 = arith.subf %parallel_loop3A_655, %parallel_loop3A_656 : vector<16xf32>
      %parallel_loop3A_658 = arith.mulf %parallel_loop3A_657, %parallel_loop3A_657 : vector<16xf32>
      %parallel_loop3A_659 = arith.addf %parallel_loop3A_592, %parallel_loop3A_658 : vector<16xf32>
      %parallel_loop3A_660 = arith.constant 4 : i32
      %parallel_loop3A_661 = arith.muli %parallel_loop3A_660, %parallel_loop3A_589 : i32
      %parallel_loop3A_662 = arith.constant 3 : i32
      %parallel_loop3A_663 = arith.addi %parallel_loop3A_661, %parallel_loop3A_662 : i32
      %parallel_loop3A_664 = arith.constant 16 : i32
      %parallel_loop3A_665 = arith.muli %parallel_loop3A_663, %parallel_loop3A_664 : i32
      %parallel_loop3A_666 = arith.constant 8192 : i32
      %parallel_loop3A_667 = arith.addi %parallel_loop3A_666, %parallel_loop3A_665 : i32
      %parallel_loop3A_668 = arith.index_cast %parallel_loop3A_667 : i32 to index
      %parallel_loop3A_669 = tpu.vector_load %arg9[%parallel_loop3A_668] {strides = array<i32>} : memref<16384xi32, #tpu.memory_space<vmem>>, vector<16xi32>,
      %parallel_loop3A_670 = arith.constant 4 : i32
      %parallel_loop3A_671 = arith.muli %parallel_loop3A_670, %parallel_loop3A_589 : i32
      %parallel_loop3A_672 = arith.constant 3 : i32
      %parallel_loop3A_673 = arith.addi %parallel_loop3A_671, %parallel_loop3A_672 : i32
      %parallel_loop3A_674 = arith.constant 16 : i32
      %parallel_loop3A_675 = arith.muli %parallel_loop3A_673, %parallel_loop3A_674 : i32
      %parallel_loop3A_676 = arith.index_cast %parallel_loop3A_675 : i32 to index
      %parallel_loop3A_677 = tpu.vector_load %arg7[%parallel_loop3A_676] {strides = array<i32>} : memref<4096xf32, #tpu.memory_space<vmem>>, vector<16xf32>,
      %parallel_loop3A_678 = tpu.vector_load_idx %arg6[%parallel_loop3A_669] : memref<100000xf32, #tpu.memory_space<vmem>>[vector<16xi32>], vector<16xf32>,
      %parallel_loop3A_679 = arith.subf %parallel_loop3A_677, %parallel_loop3A_678 : vector<16xf32>
      %parallel_loop3A_680 = arith.mulf %parallel_loop3A_679, %parallel_loop3A_679 : vector<16xf32>
      %parallel_loop3A_681 = arith.addf %parallel_loop3A_593, %parallel_loop3A_680 : vector<16xf32>
      scf.yield %parallel_loop3A_615, %parallel_loop3A_637, %parallel_loop3A_659, %parallel_loop3A_681 : vector<16xf32>, vector<16xf32>, vector<16xf32>, vector<16xf32>
    } {sc.loop_unroll_factor = 2 : i64, sc.parallel_access}
    %dma_wait3A_571 = tpu.memref_reshape %arg2 : memref<64x16384xf32, #tpu.memory_space<hbm>> -> memref<8x8x16384xf32, #tpu.memory_space<hbm>>
    %dma_wait3A_572 = arith.constant 12288 : i32
    %dma_wait3A_573 = tpu.memref_slice %dma_wait3A_571[%select_n3A_534, %select_n3A_550, %dma_wait3A_572] : memref<8x8x16384xf32, #tpu.memory_space<hbm>> -> memref<1x1x4096xf32, #tpu.memory_space<hbm>>
    %dma_wait3A_574 = tpu.memref_squeeze %dma_wait3A_573 : memref<1x1x4096xf32, #tpu.memory_space<hbm>> -> memref<4096xf32, #tpu.memory_space<hbm>>
    %dma_wait3A_575 = tpu.memref_reshape %arg2 : memref<64x16384xf32, #tpu.memory_space<hbm>> -> memref<8x8x16384xf32, #tpu.memory_space<hbm>>
    %dma_wait3A_576 = arith.constant 12288 : i32
    %dma_wait3A_577 = tpu.memref_slice %dma_wait3A_575[%select_n3A_534, %select_n3A_550, %dma_wait3A_576] : memref<8x8x16384xf32, #tpu.memory_space<hbm>> -> memref<1x1x4096xf32, #tpu.memory_space<hbm>>
    %dma_wait3A_578 = tpu.memref_squeeze %dma_wait3A_577 : memref<1x1x4096xf32, #tpu.memory_space<hbm>> -> memref<4096xf32, #tpu.memory_space<hbm>>
    tpu.wait_dma2 semaphore(%arg12 : memref<!tpu.dma_semaphore, #tpu.memory_space<semaphore_mem>>) src(%dma_wait3A_578 : memref<4096xf32, #tpu.memory_space<hbm>>) dst(%arg8 : memref<4096xf32, #tpu.memory_space<vmem>>)
    %parallel_loop3A_579 = arith.constant 0 : i32
    %parallel_loop3A_580 = arith.constant 64 : i32
    %parallel_loop3A_581 = arith.constant 1 : i32
    %parallel_loop3A_582:4 = scf.for %parallel_loop3A_589 = %parallel_loop3A_579 to %parallel_loop3A_580 step %parallel_loop3A_581 iter_args(%parallel_loop3A_590 = %parallel_loop3A_570#0, %parallel_loop3A_591 = %parallel_loop3A_570#1, %parallel_loop3A_592 = %parallel_loop3A_570#2, %parallel_loop3A_593 = %parallel_loop3A_570#3) -> (vector<16xf32>, vector<16xf32>, vector<16xf32>, vector<16xf32>)  : i32 {
      %parallel_loop3A_594 = arith.constant 4 : i32
      %parallel_loop3A_595 = arith.muli %parallel_loop3A_594, %parallel_loop3A_589 : i32
      %parallel_loop3A_596 = arith.constant 0 : i32
      %parallel_loop3A_597 = arith.addi %parallel_loop3A_595, %parallel_loop3A_596 : i32
      %parallel_loop3A_598 = arith.constant 16 : i32
      %parallel_loop3A_599 = arith.muli %parallel_loop3A_597, %parallel_loop3A_598 : i32
      %parallel_loop3A_600 = arith.constant 12288 : i32
      %parallel_loop3A_601 = arith.addi %parallel_loop3A_600, %parallel_loop3A_599 : i32
      %parallel_loop3A_602 = arith.index_cast %parallel_loop3A_601 : i32 to index
      %parallel_loop3A_603 = tpu.vector_load %arg9[%parallel_loop3A_602] {strides = array<i32>} : memref<16384xi32, #tpu.memory_space<vmem>>, vector<16xi32>,
      %parallel_loop3A_604 = arith.constant 4 : i32
      %parallel_loop3A_605 = arith.muli %parallel_loop3A_604, %parallel_loop3A_589 : i32
      %parallel_loop3A_606 = arith.constant 0 : i32
      %parallel_loop3A_607 = arith.addi %parallel_loop3A_605, %parallel_loop3A_606 : i32
      %parallel_loop3A_608 = arith.constant 16 : i32
      %parallel_loop3A_609 = arith.muli %parallel_loop3A_607, %parallel_loop3A_608 : i32
      %parallel_loop3A_610 = arith.index_cast %parallel_loop3A_609 : i32 to index
      %parallel_loop3A_611 = tpu.vector_load %arg8[%parallel_loop3A_610] {strides = array<i32>} : memref<4096xf32, #tpu.memory_space<vmem>>, vector<16xf32>,
      %parallel_loop3A_612 = tpu.vector_load_idx %arg6[%parallel_loop3A_603] : memref<100000xf32, #tpu.memory_space<vmem>>[vector<16xi32>], vector<16xf32>,
      %parallel_loop3A_613 = arith.subf %parallel_loop3A_611, %parallel_loop3A_612 : vector<16xf32>
      %parallel_loop3A_614 = arith.mulf %parallel_loop3A_613, %parallel_loop3A_613 : vector<16xf32>
      %parallel_loop3A_615 = arith.addf %parallel_loop3A_590, %parallel_loop3A_614 : vector<16xf32>
      %parallel_loop3A_616 = arith.constant 4 : i32
      %parallel_loop3A_617 = arith.muli %parallel_loop3A_616, %parallel_loop3A_589 : i32
      %parallel_loop3A_618 = arith.constant 1 : i32
      %parallel_loop3A_619 = arith.addi %parallel_loop3A_617, %parallel_loop3A_618 : i32
      %parallel_loop3A_620 = arith.constant 16 : i32
      %parallel_loop3A_621 = arith.muli %parallel_loop3A_619, %parallel_loop3A_620 : i32
      %parallel_loop3A_622 = arith.constant 12288 : i32
      %parallel_loop3A_623 = arith.addi %parallel_loop3A_622, %parallel_loop3A_621 : i32
      %parallel_loop3A_624 = arith.index_cast %parallel_loop3A_623 : i32 to index
      %parallel_loop3A_625 = tpu.vector_load %arg9[%parallel_loop3A_624] {strides = array<i32>} : memref<16384xi32, #tpu.memory_space<vmem>>, vector<16xi32>,
      %parallel_loop3A_626 = arith.constant 4 : i32
      %parallel_loop3A_627 = arith.muli %parallel_loop3A_626, %parallel_loop3A_589 : i32
      %parallel_loop3A_628 = arith.constant 1 : i32
      %parallel_loop3A_629 = arith.addi %parallel_loop3A_627, %parallel_loop3A_628 : i32
      %parallel_loop3A_630 = arith.constant 16 : i32
      %parallel_loop3A_631 = arith.muli %parallel_loop3A_629, %parallel_loop3A_630 : i32
      %parallel_loop3A_632 = arith.index_cast %parallel_loop3A_631 : i32 to index
      %parallel_loop3A_633 = tpu.vector_load %arg8[%parallel_loop3A_632] {strides = array<i32>} : memref<4096xf32, #tpu.memory_space<vmem>>, vector<16xf32>,
      %parallel_loop3A_634 = tpu.vector_load_idx %arg6[%parallel_loop3A_625] : memref<100000xf32, #tpu.memory_space<vmem>>[vector<16xi32>], vector<16xf32>,
      %parallel_loop3A_635 = arith.subf %parallel_loop3A_633, %parallel_loop3A_634 : vector<16xf32>
      %parallel_loop3A_636 = arith.mulf %parallel_loop3A_635, %parallel_loop3A_635 : vector<16xf32>
      %parallel_loop3A_637 = arith.addf %parallel_loop3A_591, %parallel_loop3A_636 : vector<16xf32>
      %parallel_loop3A_638 = arith.constant 4 : i32
      %parallel_loop3A_639 = arith.muli %parallel_loop3A_638, %parallel_loop3A_589 : i32
      %parallel_loop3A_640 = arith.constant 2 : i32
      %parallel_loop3A_641 = arith.addi %parallel_loop3A_639, %parallel_loop3A_640 : i32
      %parallel_loop3A_642 = arith.constant 16 : i32
      %parallel_loop3A_643 = arith.muli %parallel_loop3A_641, %parallel_loop3A_642 : i32
      %parallel_loop3A_644 = arith.constant 12288 : i32
      %parallel_loop3A_645 = arith.addi %parallel_loop3A_644, %parallel_loop3A_643 : i32
      %parallel_loop3A_646 = arith.index_cast %parallel_loop3A_645 : i32 to index
      %parallel_loop3A_647 = tpu.vector_load %arg9[%parallel_loop3A_646] {strides = array<i32>} : memref<16384xi32, #tpu.memory_space<vmem>>, vector<16xi32>,
      %parallel_loop3A_648 = arith.constant 4 : i32
      %parallel_loop3A_649 = arith.muli %parallel_loop3A_648, %parallel_loop3A_589 : i32
      %parallel_loop3A_650 = arith.constant 2 : i32
      %parallel_loop3A_651 = arith.addi %parallel_loop3A_649, %parallel_loop3A_650 : i32
      %parallel_loop3A_652 = arith.constant 16 : i32
      %parallel_loop3A_653 = arith.muli %parallel_loop3A_651, %parallel_loop3A_652 : i32
      %parallel_loop3A_654 = arith.index_cast %parallel_loop3A_653 : i32 to index
      %parallel_loop3A_655 = tpu.vector_load %arg8[%parallel_loop3A_654] {strides = array<i32>} : memref<4096xf32, #tpu.memory_space<vmem>>, vector<16xf32>,
      %parallel_loop3A_656 = tpu.vector_load_idx %arg6[%parallel_loop3A_647] : memref<100000xf32, #tpu.memory_space<vmem>>[vector<16xi32>], vector<16xf32>,
      %parallel_loop3A_657 = arith.subf %parallel_loop3A_655, %parallel_loop3A_656 : vector<16xf32>
      %parallel_loop3A_658 = arith.mulf %parallel_loop3A_657, %parallel_loop3A_657 : vector<16xf32>
      %parallel_loop3A_659 = arith.addf %parallel_loop3A_592, %parallel_loop3A_658 : vector<16xf32>
      %parallel_loop3A_660 = arith.constant 4 : i32
      %parallel_loop3A_661 = arith.muli %parallel_loop3A_660, %parallel_loop3A_589 : i32
      %parallel_loop3A_662 = arith.constant 3 : i32
      %parallel_loop3A_663 = arith.addi %parallel_loop3A_661, %parallel_loop3A_662 : i32
      %parallel_loop3A_664 = arith.constant 16 : i32
      %parallel_loop3A_665 = arith.muli %parallel_loop3A_663, %parallel_loop3A_664 : i32
      %parallel_loop3A_666 = arith.constant 12288 : i32
      %parallel_loop3A_667 = arith.addi %parallel_loop3A_666, %parallel_loop3A_665 : i32
      %parallel_loop3A_668 = arith.index_cast %parallel_loop3A_667 : i32 to index
      %parallel_loop3A_669 = tpu.vector_load %arg9[%parallel_loop3A_668] {strides = array<i32>} : memref<16384xi32, #tpu.memory_space<vmem>>, vector<16xi32>,
      %parallel_loop3A_670 = arith.constant 4 : i32
      %parallel_loop3A_671 = arith.muli %parallel_loop3A_670, %parallel_loop3A_589 : i32
      %parallel_loop3A_672 = arith.constant 3 : i32
      %parallel_loop3A_673 = arith.addi %parallel_loop3A_671, %parallel_loop3A_672 : i32
      %parallel_loop3A_674 = arith.constant 16 : i32
      %parallel_loop3A_675 = arith.muli %parallel_loop3A_673, %parallel_loop3A_674 : i32
      %parallel_loop3A_676 = arith.index_cast %parallel_loop3A_675 : i32 to index
      %parallel_loop3A_677 = tpu.vector_load %arg8[%parallel_loop3A_676] {strides = array<i32>} : memref<4096xf32, #tpu.memory_space<vmem>>, vector<16xf32>,
      %parallel_loop3A_678 = tpu.vector_load_idx %arg6[%parallel_loop3A_669] : memref<100000xf32, #tpu.memory_space<vmem>>[vector<16xi32>], vector<16xf32>,
      %parallel_loop3A_679 = arith.subf %parallel_loop3A_677, %parallel_loop3A_678 : vector<16xf32>
      %parallel_loop3A_680 = arith.mulf %parallel_loop3A_679, %parallel_loop3A_679 : vector<16xf32>
      %parallel_loop3A_681 = arith.addf %parallel_loop3A_593, %parallel_loop3A_680 : vector<16xf32>
      scf.yield %parallel_loop3A_615, %parallel_loop3A_637, %parallel_loop3A_659, %parallel_loop3A_681 : vector<16xf32>, vector<16xf32>, vector<16xf32>, vector<16xf32>
    } {sc.loop_unroll_factor = 2 : i64, sc.parallel_access}
    %add3A_583 = arith.addf %parallel_loop3A_582#0, %parallel_loop3A_582#1 : vector<16xf32>
    %add3A_584 = arith.addf %parallel_loop3A_582#2, %parallel_loop3A_582#3 : vector<16xf32>
    %add3A_585 = arith.addf %add3A_583, %add3A_584 : vector<16xf32>
    %swap3A = arith.constant 0 : index
    %swap3A_586 = tpu.vector_load %arg10[%swap3A] {strides = array<i32>} : memref<16xf32, #tpu.memory_space<vmem>>, vector<16xf32>,
    tpu.vector_store %arg10[%swap3A], %add3A_585 {strides = array<i32>} : memref<16xf32, #tpu.memory_space<vmem>>, vector<16xf32>,
    %mul3A_587 = arith.constant 16 : i32
    %mul3A_588 = arith.muli %add3A, %mul3A_587 : i32
    "tpu.region"() ({
      %run_scoped3A = tpu.sem_alloc : memref<!tpu.dma_semaphore, #tpu.memory_space<semaphore_mem>>
      %dma_start3A_589 = tpu.memref_slice %arg5[%mul3A_588] : memref<512xf32, #tpu.memory_space<hbm>> -> memref<16xf32, #tpu.memory_space<hbm>>
      %dma_start3A_590 = tpu.memref_slice %arg5[%mul3A_588] : memref<512xf32, #tpu.memory_space<hbm>> -> memref<16xf32, #tpu.memory_space<hbm>>
      tpu.enqueue_dma source(%arg10 : memref<16xf32, #tpu.memory_space<vmem>>) target(%dma_start3A_590 : memref<16xf32, #tpu.memory_space<hbm>>) target_semaphore(%run_scoped3A : memref<!tpu.dma_semaphore, #tpu.memory_space<semaphore_mem>>)
      %dma_wait3A_591 = tpu.memref_slice %arg5[%mul3A_588] : memref<512xf32, #tpu.memory_space<hbm>> -> memref<16xf32, #tpu.memory_space<hbm>>
      %dma_wait3A_592 = tpu.memref_slice %arg5[%mul3A_588] : memref<512xf32, #tpu.memory_space<hbm>> -> memref<16xf32, #tpu.memory_space<hbm>>
      tpu.wait_dma2 semaphore(%run_scoped3A : memref<!tpu.dma_semaphore, #tpu.memory_space<semaphore_mem>>) src(%arg10 : memref<16xf32, #tpu.memory_space<vmem>>) dst(%dma_wait3A_592 : memref<16xf32, #tpu.memory_space<hbm>>)
      tpu.yield
    }) : () -> ()
    return
  }
}

</mosaic_0001>

<sc_bundles>
// kernel: kernel.3.cloned.1.call-start
scs
__scs_entry_jumppad:
0x0: {  	(pc) =	sbr.rel $0x88, $3  }
0x1: {  	(tag) =	ssettag $0x0;
	lr =	simm.s32 $0x1  }
0x2: {  	[smem:$0x3F9D] =	sst lr;
	_ =	strace $0xD0000000  }
0x3: {  	_ = 	snop  }
0x4: {  	_ = 	snop  }
0x5: {  	_ = 	snop  }
0x6: {  	_ = 	snop  }
0x7: {  	_ = 	snop  }
__scs_overlays_trampoline_lowered:
0x8: {  	[smem:$0x3FAC] =	sst s0  }
0x9: {  	[smem:$0x3FAD] =	sst s1  }
0xa: {  	[smem:$0x3FAE] =	sst s2  }
0xb: {  	[smem:$0x3FAF] =	sst s3  }
0xc: {  	[smem:$0x3FB0] =	sst s4  }
0xd: {  	[smem:$0x3FB1] =	sst s5  }
0xe: {  	[smem:$0x3FB2] =	sst s6  }
0xf: {  	[smem:$0x3FB3] =	sst s7  }
0x10: {  	[smem:$0x3FB4] =	sst s8  }
0x11: {  	[smem:$0x3FB5] =	sst s9;
	s0 =	simm.s32 @!p0 $0x0  }
0x12: {  	s1 =	sld [smem:$0x3F9B];
	s0 =	simm.s32 @p0 $0x1  }
0x13: {  	[smem:$0x3FB6] =	sst s0;
	s0 =	simm.s32 @!p1 $0x0  }
0x14: {  	s2 =	sld [smem:$0x3F9A];
	s0 =	simm.s32 @p1 $0x1  }
0x15: {  	[smem:$0x3FB7] =	sst s0;
	s0 =	simm.s32 @!p2 $0x0  }
0x16: {  	s3 =	sld [smem:$0x3FDB];
	s0 =	simm.s32 @p2 $0x1  }
0x17: {  	s4 =	simm.s32 $0x1BF5;
	[smem:$0x3FB9] =	sst s0  }
0x18: {  	s0 =	sld [smem:$0x3F9C];
	_ =	swait.ge [sflag:s4], $0x0  }
0x19: {  	s7 =	sld [smem:$0x3F9D]  }
0x1a: {  	s8 =	sadd.s32 $0xFFFFE003, lr  }
0x1b: {  	s9 =	sadd.s32 $0xFFFFFEF7, lr;
	s5 =	simm.s32 $0xFFFFFFFF;
	p2 =	slt.u32 s8, $0xFFFFF086  }
0x1c: {  	p1 =	slt.u32 s9, $0xF7A;
	s5 =	simm.s32 @!p2 $0x0  }
0x1d: {  	s5 =	simm.s32 @p1 $0x1;
	p0 =	seq.s32 s7, s2  }
0x1e: {  	s7 =	smul.u32 @!p0 $0xF7A, s2;
	p2 =	seq.s32 @!p0 s5, $0x0  }
0x1f: {  	s9 =	smul.u32 $0xF7A, s1;
	s8 =	simm.s32 @!p0 $0x1BF5;
	p2 =	por !p2, p0  }
0x20: {  	[sflag:s8] =	ssyncset.s32 @!p0 $0xFFFFF086;
	s6 =	sadd.s32 @!p0 s3, s7;
	s7 =	simm.s32 @!p0 $0x108  }
0x21: {  	s3 =	sadd.s32 s3, s9;
	s6 =	sadd.s32 @!p0 $0x88, s6;
	s7 =	simm.s32 @p2 $0x1082  }
0x22: {  	[simem:s7], [sflag:s8] =	dma.local @!p0 [hbm:s6], $0xF7A  }
0x23: {  	s9 =	sor.u32 $0xD0000000, s2;
	s6 =	simm.s32 $0x108;
	_ =	swait.ge @!p0 [sflag:s8], $0x0  }
0x24: {  	s3 =	sadd.s32 $0x88, s3;
	s6 =	simm.s32 @!p1 $0x1082;
	[sflag:s4] =	ssyncset.s32 $0xFFFFF086  }
0x25: {  	[simem:s6], [sflag:s4] =	dma.local [hbm:s3], $0xF7A  }
0x26: {  	[smem:$0x3F9D] =	sst s1;
	(tag) =	ssettag s2;
	_ =	strace s9  }
0x27: {  	s1 =	sld [smem:$0x3FAD]  }
0x28: {  	s2 =	sld [smem:$0x3FAE]  }
0x29: {  	s4 =	sld [smem:$0x3FB0]  }
0x2a: {  	p0 =	seq.s32 s5, $0x0;
	s5 =	sld [smem:$0x3FB1]  }
0x2b: {  	s6 =	sld [smem:$0x3FB2]  }
0x2c: {  	s7 =	sld [smem:$0x3FB3]  }
0x2d: {  	s3 =	simm.s32 $0x108;
	s8 =	sld [smem:$0x3FB4]  }
0x2e: {  	s3 =	simm.s32 @!p0 $0x1082;
	s9 =	sld [smem:$0x3FB5]  }
0x2f: {  	lr =	sadd.s32 s0, s3;
	s0 =	sld [smem:$0x3FAC]  }
0x30: {  	s3 =	sld [smem:$0x3FAF]  }
0x31: {  	[smem:$0x3FB8] =	sst s10  }
0x32: {  	s10 =	sld [smem:$0x3FB6];
	_ =	sdelay $0x3  }
0x33: {  	p0 =	seq.s32 s10, $0x1;
	s10 =	sld [smem:$0x3FB8];
	_ =	sdelay $0x3  }
0x34: {  	[smem:$0x3FB8] =	sst s10  }
0x35: {  	s10 =	sld [smem:$0x3FB7];
	_ =	sdelay $0x3  }
0x36: {  	p1 =	seq.s32 s10, $0x1;
	s10 =	sld [smem:$0x3FB8];
	_ =	sdelay $0x3  }
0x37: {  	[smem:$0x3FB8] =	sst s10  }
0x38: {  	s10 =	sld [smem:$0x3FB9]  }
0x39: {  	_ = 	snop;
	(pc) =	sbr.ind lr, $3  }
0x3a: {  	_ = 	snop  }
0x3b: {  	_ = 	snop  }
0x3c: {  	p2 =	seq.s32 s10, $0x1;
	s10 =	sld [smem:$0x3FB8]  }
0x3d: {  	_ =	shalt  }
0x3e: {  	_ =	shalt  }
0x3f: {  	_ =	shalt  }
0x40: {  	_ =	shalt  }
0x41: {  	_ =	shalt  }
0x42: {  	_ =	shalt  }
0x43: {  	_ =	shalt  }
0x44: {  	_ =	shalt  }
0x45: {  	_ =	shalt  }
0x46: {  	_ =	shalt  }
0x47: {  	_ =	shalt  }
0x48: {  	_ =	shalt  }
0x49: {  	_ =	shalt  }
0x4a: {  	_ =	shalt  }
0x4b: {  	_ =	shalt  }
0x4c: {  	_ =	shalt  }
0x4d: {  	_ =	shalt  }
0x4e: {  	_ =	shalt  }
0x4f: {  	_ =	shalt  }
0x50: {  	_ =	shalt  }
0x51: {  	_ =	shalt  }
0x52: {  	_ =	shalt  }
0x53: {  	_ =	shalt  }
0x54: {  	_ =	shalt  }
0x55: {  	_ =	shalt  }
0x56: {  	_ =	shalt  }
0x57: {  	_ =	shalt  }
0x58: {  	_ =	shalt  }
0x59: {  	_ =	shalt  }
0x5a: {  	_ =	shalt  }
0x5b: {  	_ =	shalt  }
0x5c: {  	_ =	shalt  }
0x5d: {  	_ =	shalt  }
0x5e: {  	_ =	shalt  }
0x5f: {  	_ =	shalt  }
0x60: {  	_ =	shalt  }
0x61: {  	_ =	shalt  }
0x62: {  	_ =	shalt  }
0x63: {  	_ =	shalt  }
0x64: {  	_ =	shalt  }
0x65: {  	_ =	shalt  }
0x66: {  	_ =	shalt  }
0x67: {  	_ =	shalt  }
0x68: {  	_ =	shalt  }
0x69: {  	_ =	shalt  }
0x6a: {  	_ =	shalt  }
0x6b: {  	_ =	shalt  }
0x6c: {  	_ =	shalt  }
0x6d: {  	_ =	shalt  }
0x6e: {  	_ =	shalt  }
0x6f: {  	_ =	shalt  }
0x70: {  	_ =	shalt  }
0x71: {  	_ =	shalt  }
0x72: {  	_ =	shalt  }
0x73: {  	_ =	shalt  }
0x74: {  	_ =	shalt  }
0x75: {  	_ =	shalt  }
0x76: {  	_ =	shalt  }
0x77: {  	_ =	shalt  }
0x78: {  	_ =	shalt  }
0x79: {  	_ =	shalt  }
0x7a: {  	_ =	shalt  }
0x7b: {  	_ =	shalt  }
0x7c: {  	_ =	shalt  }
0x7d: {  	_ =	shalt  }
0x7e: {  	_ =	shalt  }
0x7f: {  	_ =	shalt  }
0x80: {  	_ =	shalt  }
0x81: {  	_ =	shalt  }
0x82: {  	_ =	shalt  }
0x83: {  	_ =	shalt  }
0x84: {  	_ =	shalt  }
0x85: {  	_ =	shalt  }
0x86: {  	_ =	shalt  }
0x87: {  	_ =	shalt  }
.Lfunc_end0:
.L_simem_size_0:
called_computation_lowered:
.L_overlay_start_0:
0x88: {  	s2 =	sld [smem:$0x3FD9]  }
0x89: {  	s3 =	sld [smem:$0x3FFE];
	_ =	sdelay $0x1  }
0x8a: {  	s1 =	srdreg.scid  }
0x8b: {  	s0 =	sand.u32 $0x1, s1  }
0x8c: {  	s17 =	sshll.u32 s0, $0xA;
	s2 =	sadd.s32 s3, s2  }
0x8d: {  	s2 =	sadd.s32 s2, s17  }
0x8e: {  	[smem:$0x3FC4] =	sst s2  }
0x8f: {  	_ = 	snop  }
0x90: {  	s2 =	sld [smem:$0x3FC9]  }
0x91: {  	s18 =	sld [smem:$0x3FC8]  }
0x92: {  	s4 =	sld [smem:$0x3FC7];
	(tm) =	ssettm $0x1  }
0x93: {  	s5 =	sld [smem:$0x3FFB];
	_ =	sdelay $0x3  }
0x94: {  	_ =	strace s5  }
0x95: {  	s5 =	sld [smem:$0x3FFC];
	_ =	sdelay $0x3  }
0x96: {  	_ =	strace s5  }
0x97: {  	s5 =	sld [smem:$0x3FFD];
	_ =	sdelay $0x3  }
0x98: {  	_ =	strace s5  }
0x99: {  	_ =	strace $0x8FFFFFFF  }
0x9a: {  	s19 =	sld [smem:$0x3FDB];
	_ =	sdelay $0x1  }
0x9b: {  	s6 =	simm.s32 $_scs_section_size  }
0x9c: {  	s7 =	simm.s32 $_size__tile_overlayer_lowered;
	s8 =	simm.s32 $_tile_overlayer_lowered  }
0x9d: {  	s22 =	simm.s32 $0x1BFF;
	s21 =	sshll.u32 s8, $0x1;
	s5 =	sadd.s32 s6, s19  }
0x9e: {  	s9 =	simm.s32 $0x0;
	s20 =	sshll.u32 s7, $0x1;
	s7 =	sadd.s32 s21, s5  }
0x9f: {  	[timem:s9], [sflag:s22] =	dma.local [hbm:s7], s20  }
0xa0: {  	_ =	swait.ge [sflag:s22], s20  }
0xa1: {  	s6 =	ssub.s32 $0x0, s20;
	[sflag:s22] =	ssyncset.done $0x0  }
0xa2: {  	[sflag:s22] =	ssyncadd.s32 s6;
	_ =	sdelay $0x1  }
0xa3: {  	s23 =	simm.s32 $0x1B8B  }
0xa4: {  	_ =	swait.ge [sflag:s23], $0x1  }
0xa5: {  	[sflag:s23] =	ssyncset.done $0x0  }
0xa6: {  	s25 =	simm.s32 $0x1B8E;
	s24 =	sld [smem:$0x3FFE];
	[sflag:s23] =	ssyncadd.s32 $0xFFFFFFFF  }
0xa7: {  	s26 =	simm.s32 $execute0_lowered;
	[smem:$0x3FD2] =	sst s25  }
0xa8: {  	s7 =	sshll.u32 s26, $0x1;
	_ =	strace $0x80000046;
	[dreg:$0x1] =	wrdreg $0xFFFFFFFF  }
0xa9: {  	s28 =	simm.s32 $_size_execute0_lowered;
	s5 =	sadd.s32 s5, s7;
	[dreg:$0x0] =	wrdreg $0x0  }
0xaa: {  	s7 =	sshll.u32 s28, $0x1;
	[dreg:$0x2] =	wrdreg s5  }
0xab: {  	[dreg:$0x3] =	wrdreg s7  }
0xac: {  	[dreg:$0x4] =	wrdreg $0xC0  }
0xad: {  	_ =	task [dreg:s9], $0x5FFFF  }
0xae: {  	[dreg:$0x1] =	wrdreg $0xFFFFFFFF  }
0xaf: {  	[dreg:$0x0] =	wrdreg $0x60  }
0xb0: {  	[dreg:$0x2] =	wrdreg s2  }
0xb1: {  	[dreg:$0x3] =	wrdreg s18  }
0xb2: {  	[dreg:$0x4] =	wrdreg s4  }
0xb3: {  	[dreg:$0x5] =	wrdreg s24  }
0xb4: {  	[dreg:$0x6] =	wrdreg $0x9  }
0xb5: {  	_ =	task.clear_ibuf [dreg:s9], $0x7FFFF;
	_ =	strace $0x90000046  }
0xb6: {  	s29 =	simm.s32 $0x9;
	_ =	strace $0x80000048  }
0xb7: {  	_ =	swait.ge [sflag:s29], $0x1  }
0xb8: {  	[sflag:s29] =	ssyncadd.s32 $0xFFFFFFFF  }
0xb9: {  	_ =	strace $0x90000048  }
0xba: {  	_ =	sfence  }
0xbb: {  	s30 =	sld [smem:$0x0];
	_ =	sdelay $0x2  }
0xbc: {  	s31 =	sshll.u32 s1, $0xD;
	s1 =	sshrl.u32 s1, $0x2  }
0xbd: {  	s3 =	sand.u32 $0x4000, s31;
	s1 =	sadd.s32 s1, s30  }
0xbe: {  	s0 =	sor.u32 s3, s0;
	s1 =	sshll.u32 s1, $0x11  }
0xbf: {  	s0 =	sor.u32 s1, s0  }
0xc0: {  	s0 =	sadd.s32 $0x8F2B, s0  }
0xc1: {  	[sflag:s0] =	ssyncadd.remote.s32 $0x1  }
0xc2: {  	_ =	sfence.sel $0xFFFF  }
0xc3: {  	[dreg:$0x0] =	wrdreg $0xFFFFFFFF;
	(pc) =	sbr.abs _section_cstart, $3  }
0xc4: {  	[dreg:$0x1] =	wrdreg $0xFFFFFFFF  }
0xc5: {  	_ =	task.clear_ibuf [dreg:s9], $0x2FFFF;
	_ =	strace $0x9FFFFFFF  }
0xc6: {  	(tm) =	ssettm $0x7FFFFFFF  }
0xc7: {  	_ =	shalt  }
tec
execute0_lowered:
.L_overlay_start_1:
0x0: {  	(tag) =	ssettag $0x1  }
0x1: {  	s9 =	rddreg [dreg:$0x0]  }
0x2: {  	s2 =	rddreg [dreg:$0x1]  }
0x3: {  	s10 =	rddreg [dreg:$0x2]  }
0x4: {  	s14 =	rddreg [dreg:$0x3];
	s3 =	srdreg.scid  }
0x5: {  	s1 =	stileid.u32;
	s0 =	rddreg [dreg:$0x4];
	s20 =	simm.s32 $0x3  }
0x6: {  	s21 =	simm.s32 $0x1;
	s22 =	simm.s32 $0x19700;
	s23 =	simm.s32 $0x2  }
0x7: {  	s24 =	simm.s32 $0x1E700;
	s25 =	simm.s32 $0x4;
	s26 =	simm.s32 $0x0  }
0x8: {  	s4 =	sand.u32 $0x1, s3;
	s5 =	sshll.u32 s1, $0x1;
	s3 =	simm.s32 $0x0  }
0x9: {  	s6 =	sshrl.u32 s1, $0x2;
	s13 =	sadd.s32 $0x1000, s9;
	s16 =	sadd.s32 $0x2000, s9  }
0xa: {  	s19 =	sadd.s32 $0x3000, s9;
	s12 =	sor.u32 s4, s5;
	[smem:$0x7FF] =	sst s3  }
0xb: {  	s7 =	smul.u32 $0xC3800, s6;
	s4 =	ssub.s32 $0x2, s4;
	s28 =	sshll.u32 s6, $0x11  }
0xc: {  	s6 =	sor.u32 $0x4, s6;
	s5 =	sshll.u32 s12, $0x7;
	_ =	strace $0x80000047  }
0xd: {  	s11 =	sshrl.u32 s4, $0x1;
	s17 =	sshll.u32 s6, $0x11;
	s18 =	smul.u32 $0xC3800, s6  }
0xe: {  	s31 =	sshll.u32 s12, $0x1;
	s8 =	sand.u32 $0x380, s5;
	s15 =	ssub.s32 s4, s11  }
0xf: {  	s14 =	sadd.s32 s14, s31;
	s5 =	sor.u32 s7, s8;
	s7 =	sor.u32 s28, s8  }
0x10: {  	s17 =	sor.u32 s17, s8;
	s18 =	sor.u32 s18, s8;
	s15 =	smax.u32 s15, $0x1  }
0x11: {  	s5 =	sshrl.u32 s5, $0x3;
	s29 =	sshrl.u32 s7, $0x3;
	s17 =	sshrl.u32 s17, $0x3  }
0x12: {  	s30 =	sshrl.u32 s18, $0x3;
	s18 =	simm.s32 $0x1A700;
	s4 =	sadd.s32 s10, s5  }
0x13: {  	s5 =	sadd.s32 s9, s29;
	s6 =	sadd.s32 s29, s13;
	s7 =	sadd.s32 s29, s16  }
0x14: {  	s8 =	sadd.s32 s29, s19;
	s9 =	sadd.s32 s9, s17;
	s10 =	sadd.s32 s10, s30  }
0x15: {  	s11 =	sadd.s32 s17, s13;
	s12 =	sadd.s32 s17, s16;
	s13 =	sadd.s32 s17, s19  }
0x16: {  	s16 =	simm.s32 $0x80;
	s17 =	simm.s32 $0x400;
	s19 =	simm.s32 $0x18700  }
.LBB2_1:
0x17: {  	[tilespmem:s3], [sflag:$0x1] =	stream.strided.gather [hbm4b:s4+s16], $0x18700, s17, s16, $0x38;
	[tilespmem:$0x1E780] =	vst v63  }
0x18: {  	_ = 	snop  }
0x19: {  	[tilespmem:s18], [sflag:$0x3] =	stream.linear.gather [hbm4b:s2+s3], $0x4000, $0x38;
	[tilespmem:$0x1E780] =	vst v63  }
0x1a: {  	_ = 	snop  }
0x1b: {  	[tilespmem:s19], [sflag:$0x2] =	stream.strided.gather [hbm4b:s5+s16], $0x1000, s17, s16, $0x38;
	[tilespmem:$0x1E780] =	vst v63  }
0x1c: {  	_ =	swait.ge [sflag:s20], $0x4000  }
0x1d: {  	[sflag:s20] =	ssyncset.done $0x0  }
0x1e: {  	[sflag:s20] =	ssyncadd.s32 $0xFFFFC000  }
0x1f: {  	_ =	swait.ge [sflag:s21], $0x18700  }
0x20: {  	[sflag:s21] =	ssyncset.done $0x0  }
0x21: {  	[sflag:s21] =	ssyncadd.s32 $0xFFFE7900  }
0x22: {  	[tilespmem:s22], [sflag:$0x2] =	stream.strided.gather [hbm4b:s6+s16], $0x1000, s17, s16, $0x38;
	[tilespmem:$0x1E780] =	vst v63  }
0x23: {  	_ =	swait.ge [sflag:s23], $0x1000  }
0x24: {  	[sflag:s23] =	ssyncset.done $0x0  }
0x25: {  	s30 =	simm.s32 $0x18740;
	[sflag:s23] =	ssyncadd.s32 $0xFFFFF000  }
0x26: {  	v0 =	vld [tilespmem:s30+$0x0]  }
0x27: {  	v1 =	vld [tilespmem:s30+$0x10]  }
0x28: {  	v6 =	vld [tilespmem:s30+$0x20]  }
0x29: {  	v8 =	vld [tilespmem:s30+$0xFFFFFFC0]  }
0x2a: {  	v9 =	vld [tilespmem:s30+$0xFFFFFFD0]  }
0x2b: {  	v10 =	vld [tilespmem:s30+$0xFFFFFFE0]  }
0x2c: {  	s28 =	simm.s32 $0x1A740;
	v11 =	vld [tilespmem:s30+$0xFFFFFFF0]  }
0x2d: {  	v2 =	vld [tilespmem:s28+$0x0]  }
0x2e: {  	v3 =	vld [tilespmem:s28+$0x10]  }
0x2f: {  	v4 =	vld [tilespmem:s28+$0xFFFFFFC0]  }
0x30: {  	v5 =	vld [tilespmem:s28+$0xFFFFFFD0]  }
0x31: {  	v7 =	vld [tilespmem:s28+$0xFFFFFFE0]  }
0x32: {  	v12 =	vld [tilespmem:s28+$0xFFFFFFF0]  }
0x33: {  	v13 =	vld [tilespmem:s28+$0x20]  }
0x34: {  	v14 =	vld [tilespmem:s28+$0x30]  }
0x35: {  	v19 =	vld [tilespmem:s30+$0x30]  }
0x36: {  	v2 =	vld.idx.msk [tilespmem:v2+s3+$0x0], $0xffff  }
0x37: {  	v16 =	vld.idx.msk [tilespmem:v3+s3+$0x0], $0xffff  }
0x38: {  	v24 =	vld.idx.msk [tilespmem:v4+s3+$0x0], $0xffff  }
0x39: {  	v23 =	vld.idx.msk [tilespmem:v5+s3+$0x0], $0xffff  }
0x3a: {  	v22 =	vld.idx.msk [tilespmem:v7+s3+$0x0], $0xffff  }
0x3b: {  	v20 =	vld.idx.msk [tilespmem:v12+s3+$0x0], $0xffff  }
0x3c: {  	v15 =	vimm.f32 $0.0e+00;
	v18 =	vld.idx.msk [tilespmem:v13+s3+$0x0], $0xffff;
	v13 =	vimm.f32 $0.0e+00  }
0x3d: {  	s29 =	simm.s32 $0x0;
	s30 =	simm.s32 $0x187C0;
	v17 =	vld.idx.msk [tilespmem:v14+s3+$0x0], $0xffff;
	v14 =	vimm.f32 $0.0e+00;
	v12 =	vimm.f32 $0.0e+00;
	v21 =	vsub.f32 v0, v2  }
.LBB2_2:
0x3e: {  	v0 =	vld [tilespmem:s30+$0x0];
	v2 =	vsub.f32 v8, v24;
	v3 =	vsub.f32 v1, v16  }
0x3f: {  	v4 =	vsub.f32 v9, v23;
	v5 =	vsub.f32 v10, v22;
	v1 =	vld [tilespmem:s30+$0x10]  }
0x40: {  	v10 =	vsub.f32 v11, v20;
	v16 =	vmul.f32 v21, v21;
	v7 =	vld [tilespmem:s30+$0x20];
	v3 =	vmul.f32 v3, v3  }
0x41: {  	v2 =	vmul.f32 v2, v2;
	v4 =	vmul.f32 v4, v4;
	v6 =	vsub.f32 v6, v18;
	v8 =	vld [tilespmem:s30+$0xFFFFFFC0]  }
0x42: {  	v5 =	vmul.f32 v5, v5;
	v18 =	vmul.f32 v10, v10;
	v9 =	vld [tilespmem:s30+$0xFFFFFFD0];
	v17 =	vsub.f32 v19, v17  }
0x43: {  	v2 =	vadd.f32 v2, v13;
	v4 =	vadd.f32 v4, v15;
	v19 =	vmul.f32 v6, v6;
	v10 =	vld [tilespmem:s30+$0xFFFFFFE0]  }
0x44: {  	s28 =	sadd.s32 $0x80, s28;
	v5 =	vadd.f32 v5, v14;
	v12 =	vadd.f32 v18, v12;
	v11 =	vld [tilespmem:s30+$0xFFFFFFF0];
	v17 =	vmul.f32 v17, v17  }
0x45: {  	v13 =	vadd.f32 v16, v2;
	v15 =	vadd.f32 v3, v4;
	v18 =	vld [tilespmem:s28+$0x0];
	v6 =	vmov v7  }
0x46: {  	v14 =	vadd.f32 v19, v5;
	v2 =	vld [tilespmem:s28+$0x10];
	v12 =	vadd.f32 v17, v12  }
0x47: {  	v3 =	vld [tilespmem:s28+$0xFFFFFFC0]  }
0x48: {  	v4 =	vld [tilespmem:s28+$0xFFFFFFD0]  }
0x49: {  	v5 =	vld [tilespmem:s28+$0xFFFFFFE0]  }
0x4a: {  	s29 =	sadd.s32 $0x2, s29;
	v7 =	vld [tilespmem:s28+$0xFFFFFFF0]  }
0x4b: {  	p0 =	slt.u32 s29, $0x3E;
	v17 =	vld [tilespmem:s28+$0x20]  }
0x4c: {  	v19 =	vld [tilespmem:s28+$0x30]  }
0x4d: {  	v21 =	vld.idx.msk [tilespmem:v18+s3+$0x0], $0xffff  }
0x4e: {  	v16 =	vld.idx.msk [tilespmem:v2+s3+$0x0], $0xffff  }
0x4f: {  	v24 =	vld.idx.msk [tilespmem:v3+s3+$0x0], $0xffff  }
0x50: {  	v23 =	vld.idx.msk [tilespmem:v4+s3+$0x0], $0xffff  }
.Ltmp0:
0x51: {  	v22 =	vld.idx.msk [tilespmem:v5+s3+$0x0], $0xffff;
	(pc) =	sbr.rel @p0 .LBB2_2-.Ltmp0, $4  }
0x52: {  	v20 =	vld.idx.msk [tilespmem:v7+s3+$0x0], $0xffff  }
0x53: {  	v18 =	vld.idx.msk [tilespmem:v17+s3+$0x0], $0xffff  }
0x54: {  	v17 =	vld.idx.msk [tilespmem:v19+s3+$0x0], $0xffff  }
0x55: {  	v21 =	vsub.f32 v0, v21;
	v19 =	vld [tilespmem:s30+$0x30];
	s30 =	sadd.s32 $0x80, s30  }
0x56: {  	[tilespmem:s19], [sflag:$0x2] =	stream.strided.gather [hbm4b:s7+s16], $0x1000, s17, s16, $0x38;
	[tilespmem:$0x1E780] =	vst v63  }
0x57: {  	_ =	swait.ge [sflag:s23], $0x1000  }
0x58: {  	[sflag:s23] =	ssyncset.done $0x0  }
0x59: {  	s30 =	simm.s32 $0x19740;
	[sflag:s23] =	ssyncadd.s32 $0xFFFFF000  }
0x5a: {  	v25 =	vld [tilespmem:s30+$0x0]  }
0x5b: {  	v0 =	vld [tilespmem:s30+$0x10]  }
0x5c: {  	v2 =	vld [tilespmem:s30+$0x20]  }
0x5d: {  	v3 =	vld [tilespmem:s30+$0xFFFFFFC0]  }
0x5e: {  	v4 =	vld [tilespmem:s30+$0xFFFFFFD0]  }
0x5f: {  	v5 =	vld [tilespmem:s30+$0xFFFFFFE0]  }
0x60: {  	s28 =	simm.s32 $0x1B770;
	v7 =	vld [tilespmem:s30+$0xFFFFFFF0]  }
0x61: {  	v26 =	vld [tilespmem:s28+$0xFFFFFFD0]  }
0x62: {  	v27 =	vld [tilespmem:s28+$0xFFFFFFE0]  }
0x63: {  	v28 =	vld [tilespmem:s28+$0xFFFFFF90]  }
0x64: {  	v29 =	vld [tilespmem:s28+$0xFFFFFFA0]  }
0x65: {  	v30 =	vld [tilespmem:s28+$0xFFFFFFB0]  }
0x66: {  	v31 =	vld [tilespmem:s28+$0xFFFFFFC0]  }
0x67: {  	v32 =	vld [tilespmem:s28+$0xFFFFFFF0]  }
0x68: {  	v8 =	vsub.f32 v8, v24;
	v24 =	vld [tilespmem:s28+$0x0]  }
0x69: {  	v9 =	vsub.f32 v9, v23;
	v1 =	vsub.f32 v1, v16;
	v23 =	vld.idx.msk [tilespmem:v26+s3+$0x0], $0xffff  }
0x6a: {  	v10 =	vsub.f32 v10, v22;
	v11 =	vsub.f32 v11, v20;
	v16 =	vld.idx.msk [tilespmem:v27+s3+$0x0], $0xffff  }
0x6b: {  	v8 =	vmul.f32 v8, v8;
	v6 =	vsub.f32 v6, v18;
	v9 =	vmul.f32 v9, v9;
	v18 =	vld.idx.msk [tilespmem:v28+s3+$0x0], $0xffff  }
0x6c: {  	v10 =	vmul.f32 v10, v10;
	v1 =	vmul.f32 v1, v1;
	v17 =	vsub.f32 v19, v17;
	v19 =	vld.idx.msk [tilespmem:v29+s3+$0x0], $0xffff  }
0x6d: {  	v11 =	vmul.f32 v11, v11;
	v8 =	vadd.f32 v8, v13;
	v13 =	vmul.f32 v21, v21;
	v21 =	vld.idx.msk [tilespmem:v30+s3+$0x0], $0xffff  }
0x6e: {  	v9 =	vadd.f32 v9, v15;
	v10 =	vadd.f32 v10, v14;
	v6 =	vmul.f32 v6, v6;
	v22 =	vld.idx.msk [tilespmem:v31+s3+$0x0], $0xffff  }
0x6f: {  	v11 =	vadd.f32 v11, v12;
	v14 =	vadd.f32 v13, v8;
	v8 =	vmul.f32 v17, v17;
	v20 =	vld.idx.msk [tilespmem:v32+s3+$0x0], $0xffff  }
0x70: {  	v15 =	vadd.f32 v1, v9;
	v13 =	vadd.f32 v6, v10;
	v17 =	vld.idx.msk [tilespmem:v24+s3+$0x0], $0xffff  }
0x71: {  	s29 =	simm.s32 $0x0;
	v12 =	vadd.f32 v8, v11;
	v24 =	vsub.f32 v25, v23;
	v23 =	vld [tilespmem:s30+$0x30];
	s30 =	simm.s32 $0x197C0  }
.LBB2_4:
0x72: {  	v1 =	vld [tilespmem:s30+$0x0];
	v6 =	vsub.f32 v3, v18;
	v3 =	vsub.f32 v0, v16  }
0x73: {  	v4 =	vsub.f32 v4, v19;
	v5 =	vsub.f32 v5, v21;
	v0 =	vld [tilespmem:s30+$0x10]  }
0x74: {  	v7 =	vsub.f32 v7, v22;
	v9 =	vmul.f32 v24, v24;
	v8 =	vld [tilespmem:s30+$0x20];
	v10 =	vmul.f32 v3, v3  }
0x75: {  	v6 =	vmul.f32 v6, v6;
	v11 =	vmul.f32 v4, v4;
	v2 =	vsub.f32 v2, v20;
	v3 =	vld [tilespmem:s30+$0xFFFFFFC0]  }
0x76: {  	v16 =	vmul.f32 v5, v5;
	v18 =	vmul.f32 v7, v7;
	v4 =	vld [tilespmem:s30+$0xFFFFFFD0];
	v17 =	vsub.f32 v23, v17  }
0x77: {  	v6 =	vadd.f32 v6, v14;
	v11 =	vadd.f32 v11, v15;
	v19 =	vmul.f32 v2, v2;
	v5 =	vld [tilespmem:s30+$0xFFFFFFE0]  }
0x78: {  	s28 =	sadd.s32 $0x80, s28;
	v13 =	vadd.f32 v16, v13;
	v12 =	vadd.f32 v18, v12;
	v7 =	vld [tilespmem:s30+$0xFFFFFFF0];
	v16 =	vmul.f32 v17, v17  }
0x79: {  	v14 =	vadd.f32 v9, v6;
	v15 =	vadd.f32 v10, v11;
	v17 =	vld [tilespmem:s28+$0xFFFFFFD0];
	v2 =	vmov v8  }
0x7a: {  	v13 =	vadd.f32 v19, v13;
	v6 =	vld [tilespmem:s28+$0xFFFFFFE0];
	v12 =	vadd.f32 v16, v12  }
0x7b: {  	v8 =	vld [tilespmem:s28+$0xFFFFFF90]  }
0x7c: {  	v9 =	vld [tilespmem:s28+$0xFFFFFFA0]  }
0x7d: {  	v10 =	vld [tilespmem:s28+$0xFFFFFFB0]  }
0x7e: {  	s29 =	sadd.s32 $0x2, s29;
	v11 =	vld [tilespmem:s28+$0xFFFFFFC0]  }
0x7f: {  	p0 =	slt.u32 s29, $0x3E;
	v20 =	vld [tilespmem:s28+$0xFFFFFFF0]  }
0x80: {  	v23 =	vld [tilespmem:s28+$0x0]  }
0x81: {  	v24 =	vld.idx.msk [tilespmem:v17+s3+$0x0], $0xffff  }
0x82: {  	v16 =	vld.idx.msk [tilespmem:v6+s3+$0x0], $0xffff  }
0x83: {  	v18 =	vld.idx.msk [tilespmem:v8+s3+$0x0], $0xffff  }
0x84: {  	v19 =	vld.idx.msk [tilespmem:v9+s3+$0x0], $0xffff  }
.Ltmp1:
0x85: {  	v21 =	vld.idx.msk [tilespmem:v10+s3+$0x0], $0xffff;
	(pc) =	sbr.rel @p0 .LBB2_4-.Ltmp1, $4  }
0x86: {  	v22 =	vld.idx.msk [tilespmem:v11+s3+$0x0], $0xffff  }
0x87: {  	v20 =	vld.idx.msk [tilespmem:v20+s3+$0x0], $0xffff  }
0x88: {  	v17 =	vld.idx.msk [tilespmem:v23+s3+$0x0], $0xffff  }
0x89: {  	v24 =	vsub.f32 v1, v24;
	v23 =	vld [tilespmem:s30+$0x30];
	s30 =	sadd.s32 $0x80, s30  }
0x8a: {  	[tilespmem:s22], [sflag:$0x2] =	stream.strided.gather [hbm4b:s8+s16], $0x1000, s17, s16, $0x38;
	[tilespmem:$0x1E780] =	vst v63  }
0x8b: {  	_ =	swait.ge [sflag:s23], $0x1000  }
0x8c: {  	[sflag:s23] =	ssyncset.done $0x0  }
0x8d: {  	s30 =	simm.s32 $0x18740;
	[sflag:s23] =	ssyncadd.s32 $0xFFFFF000  }
0x8e: {  	v25 =	vld [tilespmem:s30+$0x0]  }
0x8f: {  	v1 =	vld [tilespmem:s30+$0x10]  }
0x90: {  	v6 =	vld [tilespmem:s30+$0x20]  }
0x91: {  	v8 =	vld [tilespmem:s30+$0xFFFFFFC0]  }
0x92: {  	v9 =	vld [tilespmem:s30+$0xFFFFFFD0]  }
0x93: {  	v10 =	vld [tilespmem:s30+$0xFFFFFFE0]  }
0x94: {  	s28 =	simm.s32 $0x1C770;
	v11 =	vld [tilespmem:s30+$0xFFFFFFF0]  }
0x95: {  	v26 =	vld [tilespmem:s28+$0xFFFFFFD0]  }
0x96: {  	v27 =	vld [tilespmem:s28+$0xFFFFFFE0]  }
0x97: {  	v28 =	vld [tilespmem:s28+$0xFFFFFF90]  }
0x98: {  	v29 =	vld [tilespmem:s28+$0xFFFFFFA0]  }
0x99: {  	v30 =	vld [tilespmem:s28+$0xFFFFFFB0]  }
0x9a: {  	v31 =	vld [tilespmem:s28+$0xFFFFFFC0]  }
0x9b: {  	v32 =	vld [tilespmem:s28+$0xFFFFFFF0]  }
0x9c: {  	v3 =	vsub.f32 v3, v18;
	v33 =	vld [tilespmem:s28+$0x0]  }
0x9d: {  	v4 =	vsub.f32 v4, v19;
	v17 =	vsub.f32 v23, v17;
	v23 =	vld [tilespmem:s30+$0x30]  }
0x9e: {  	v0 =	vsub.f32 v0, v16;
	v5 =	vsub.f32 v5, v21;
	v26 =	vld.idx.msk [tilespmem:v26+s3+$0x0], $0xffff  }
0x9f: {  	v7 =	vsub.f32 v7, v22;
	v3 =	vmul.f32 v3, v3;
	v4 =	vmul.f32 v4, v4;
	v16 =	vld.idx.msk [tilespmem:v27+s3+$0x0], $0xffff  }
0xa0: {  	v2 =	vsub.f32 v2, v20;
	v5 =	vmul.f32 v5, v5;
	v0 =	vmul.f32 v0, v0;
	v18 =	vld.idx.msk [tilespmem:v28+s3+$0x0], $0xffff  }
0xa1: {  	v7 =	vmul.f32 v7, v7;
	v3 =	vadd.f32 v3, v14;
	v14 =	vmul.f32 v24, v24;
	v19 =	vld.idx.msk [tilespmem:v29+s3+$0x0], $0xffff  }
0xa2: {  	v4 =	vadd.f32 v4, v15;
	v5 =	vadd.f32 v5, v13;
	v2 =	vmul.f32 v2, v2;
	v21 =	vld.idx.msk [tilespmem:v30+s3+$0x0], $0xffff  }
0xa3: {  	v7 =	vadd.f32 v7, v12;
	v14 =	vadd.f32 v14, v3;
	v3 =	vmul.f32 v17, v17;
	v22 =	vld.idx.msk [tilespmem:v31+s3+$0x0], $0xffff  }
0xa4: {  	v15 =	vadd.f32 v0, v4;
	v13 =	vadd.f32 v2, v5;
	v20 =	vld.idx.msk [tilespmem:v32+s3+$0x0], $0xffff  }
0xa5: {  	s29 =	simm.s32 $0x0;
	s30 =	simm.s32 $0x187C0;
	v12 =	vadd.f32 v3, v7;
	v17 =	vld.idx.msk [tilespmem:v33+s3+$0x0], $0xffff;
	v24 =	vsub.f32 v25, v26  }
.LBB2_6:
0xa6: {  	v0 =	vld [tilespmem:s30+$0x0];
	v2 =	vsub.f32 v8, v18;
	v3 =	vsub.f32 v1, v16  }
0xa7: {  	v4 =	vsub.f32 v9, v19;
	v5 =	vsub.f32 v10, v21;
	v1 =	vld [tilespmem:s30+$0x10]  }
0xa8: {  	v10 =	vsub.f32 v11, v22;
	v16 =	vmul.f32 v24, v24;
	v7 =	vld [tilespmem:s30+$0x20];
	v3 =	vmul.f32 v3, v3  }
0xa9: {  	v2 =	vmul.f32 v2, v2;
	v4 =	vmul.f32 v4, v4;
	v6 =	vsub.f32 v6, v20;
	v8 =	vld [tilespmem:s30+$0xFFFFFFC0]  }
0xaa: {  	v5 =	vmul.f32 v5, v5;
	v18 =	vmul.f32 v10, v10;
	v9 =	vld [tilespmem:s30+$0xFFFFFFD0];
	v17 =	vsub.f32 v23, v17  }
0xab: {  	v2 =	vadd.f32 v2, v14;
	v4 =	vadd.f32 v4, v15;
	v19 =	vmul.f32 v6, v6;
	v10 =	vld [tilespmem:s30+$0xFFFFFFE0]  }
0xac: {  	s28 =	sadd.s32 $0x80, s28;
	v5 =	vadd.f32 v5, v13;
	v12 =	vadd.f32 v18, v12;
	v11 =	vld [tilespmem:s30+$0xFFFFFFF0];
	v17 =	vmul.f32 v17, v17  }
0xad: {  	v14 =	vadd.f32 v16, v2;
	v15 =	vadd.f32 v3, v4;
	v18 =	vld [tilespmem:s28+$0xFFFFFFD0];
	v6 =	vmov v7  }
0xae: {  	v13 =	vadd.f32 v19, v5;
	v2 =	vld [tilespmem:s28+$0xFFFFFFE0];
	v12 =	vadd.f32 v17, v12  }
0xaf: {  	v3 =	vld [tilespmem:s28+$0xFFFFFF90]  }
0xb0: {  	v4 =	vld [tilespmem:s28+$0xFFFFFFA0]  }
0xb1: {  	v5 =	vld [tilespmem:s28+$0xFFFFFFB0]  }
0xb2: {  	s29 =	sadd.s32 $0x2, s29;
	v7 =	vld [tilespmem:s28+$0xFFFFFFC0]  }
0xb3: {  	p0 =	slt.u32 s29, $0x3E;
	v17 =	vld [tilespmem:s28+$0xFFFFFFF0]  }
0xb4: {  	v23 =	vld [tilespmem:s28+$0x0]  }
0xb5: {  	v24 =	vld.idx.msk [tilespmem:v18+s3+$0x0], $0xffff  }
0xb6: {  	v16 =	vld.idx.msk [tilespmem:v2+s3+$0x0], $0xffff  }
0xb7: {  	v18 =	vld.idx.msk [tilespmem:v3+s3+$0x0], $0xffff  }
0xb8: {  	v19 =	vld.idx.msk [tilespmem:v4+s3+$0x0], $0xffff  }
.Ltmp2:
0xb9: {  	v21 =	vld.idx.msk [tilespmem:v5+s3+$0x0], $0xffff;
	(pc) =	sbr.rel @p0 .LBB2_6-.Ltmp2, $4  }
0xba: {  	v22 =	vld.idx.msk [tilespmem:v7+s3+$0x0], $0xffff  }
0xbb: {  	v20 =	vld.idx.msk [tilespmem:v17+s3+$0x0], $0xffff  }
0xbc: {  	v17 =	vld.idx.msk [tilespmem:v23+s3+$0x0], $0xffff  }
0xbd: {  	v24 =	vsub.f32 v0, v24;
	v23 =	vld [tilespmem:s30+$0x30];
	s30 =	sadd.s32 $0x80, s30  }
0xbe: {  	[tilespmem:s19], [sflag:$0x2] =	stream.strided.gather [hbm4b:s9+s16], $0x1000, s17, s16, $0x38;
	[tilespmem:$0x1E780] =	vst v63  }
0xbf: {  	_ =	swait.ge [sflag:s23], $0x1000  }
0xc0: {  	[sflag:s23] =	ssyncset.done $0x0  }
0xc1: {  	s30 =	simm.s32 $0x19740;
	[sflag:s23] =	ssyncadd.s32 $0xFFFFF000  }
0xc2: {  	v25 =	vld [tilespmem:s30+$0x0]  }
0xc3: {  	v0 =	vld [tilespmem:s30+$0x10]  }
0xc4: {  	v2 =	vld [tilespmem:s30+$0x20]  }
0xc5: {  	v3 =	vld [tilespmem:s30+$0xFFFFFFC0]  }
0xc6: {  	v4 =	vld [tilespmem:s30+$0xFFFFFFD0]  }
0xc7: {  	v5 =	vld [tilespmem:s30+$0xFFFFFFE0]  }
0xc8: {  	s28 =	simm.s32 $0x1D770;
	v7 =	vld [tilespmem:s30+$0xFFFFFFF0]  }
0xc9: {  	v26 =	vld [tilespmem:s28+$0xFFFFFFD0]  }
0xca: {  	v27 =	vld [tilespmem:s28+$0xFFFFFFE0]  }
0xcb: {  	v28 =	vld [tilespmem:s28+$0xFFFFFF90]  }
0xcc: {  	v29 =	vld [tilespmem:s28+$0xFFFFFFA0]  }
0xcd: {  	v30 =	vld [tilespmem:s28+$0xFFFFFFB0]  }
0xce: {  	v31 =	vld [tilespmem:s28+$0xFFFFFFC0]  }
0xcf: {  	v32 =	vld [tilespmem:s28+$0xFFFFFFF0]  }
0xd0: {  	v8 =	vsub.f32 v8, v18;
	v33 =	vld [tilespmem:s28+$0x0]  }
0xd1: {  	v9 =	vsub.f32 v9, v19;
	v17 =	vsub.f32 v23, v17;
	v23 =	vld [tilespmem:s30+$0x30]  }
0xd2: {  	v1 =	vsub.f32 v1, v16;
	v10 =	vsub.f32 v10, v21;
	v26 =	vld.idx.msk [tilespmem:v26+s3+$0x0], $0xffff  }
0xd3: {  	v11 =	vsub.f32 v11, v22;
	v8 =	vmul.f32 v8, v8;
	v9 =	vmul.f32 v9, v9;
	v16 =	vld.idx.msk [tilespmem:v27+s3+$0x0], $0xffff  }
0xd4: {  	v6 =	vsub.f32 v6, v20;
	v10 =	vmul.f32 v10, v10;
	v1 =	vmul.f32 v1, v1;
	v18 =	vld.idx.msk [tilespmem:v28+s3+$0x0], $0xffff  }
0xd5: {  	v11 =	vmul.f32 v11, v11;
	v8 =	vadd.f32 v8, v14;
	v14 =	vmul.f32 v24, v24;
	v19 =	vld.idx.msk [tilespmem:v29+s3+$0x0], $0xffff  }
0xd6: {  	v9 =	vadd.f32 v9, v15;
	v10 =	vadd.f32 v10, v13;
	v6 =	vmul.f32 v6, v6;
	v21 =	vld.idx.msk [tilespmem:v30+s3+$0x0], $0xffff  }
0xd7: {  	v11 =	vadd.f32 v11, v12;
	v14 =	vadd.f32 v14, v8;
	v8 =	vmul.f32 v17, v17;
	v22 =	vld.idx.msk [tilespmem:v31+s3+$0x0], $0xffff  }
0xd8: {  	v15 =	vadd.f32 v1, v9;
	v13 =	vadd.f32 v6, v10;
	v20 =	vld.idx.msk [tilespmem:v32+s3+$0x0], $0xffff  }
0xd9: {  	s29 =	simm.s32 $0x0;
	s30 =	simm.s32 $0x197C0;
	v11 =	vadd.f32 v8, v11;
	v17 =	vld.idx.msk [tilespmem:v33+s3+$0x0], $0xffff;
	v24 =	vsub.f32 v25, v26  }
.LBB2_8:
0xda: {  	v1 =	vld [tilespmem:s30+$0x0];
	v6 =	vsub.f32 v3, v18;
	v3 =	vsub.f32 v0, v16  }
0xdb: {  	v4 =	vsub.f32 v4, v19;
	v5 =	vsub.f32 v5, v21;
	v0 =	vld [tilespmem:s30+$0x10]  }
0xdc: {  	v7 =	vsub.f32 v7, v22;
	v9 =	vmul.f32 v24, v24;
	v8 =	vld [tilespmem:s30+$0x20];
	v10 =	vmul.f32 v3, v3  }
0xdd: {  	v6 =	vmul.f32 v6, v6;
	v12 =	vmul.f32 v4, v4;
	v2 =	vsub.f32 v2, v20;
	v3 =	vld [tilespmem:s30+$0xFFFFFFC0]  }
0xde: {  	v16 =	vmul.f32 v5, v5;
	v18 =	vmul.f32 v7, v7;
	v4 =	vld [tilespmem:s30+$0xFFFFFFD0];
	v17 =	vsub.f32 v23, v17  }
0xdf: {  	v6 =	vadd.f32 v6, v14;
	v12 =	vadd.f32 v12, v15;
	v19 =	vmul.f32 v2, v2;
	v5 =	vld [tilespmem:s30+$0xFFFFFFE0]  }
0xe0: {  	s28 =	sadd.s32 $0x80, s28;
	v13 =	vadd.f32 v16, v13;
	v11 =	vadd.f32 v18, v11;
	v7 =	vld [tilespmem:s30+$0xFFFFFFF0];
	v16 =	vmul.f32 v17, v17  }
0xe1: {  	v14 =	vadd.f32 v9, v6;
	v15 =	vadd.f32 v10, v12;
	v17 =	vld [tilespmem:s28+$0xFFFFFFD0];
	v2 =	vmov v8  }
0xe2: {  	v13 =	vadd.f32 v19, v13;
	v6 =	vld [tilespmem:s28+$0xFFFFFFE0];
	v11 =	vadd.f32 v16, v11  }
0xe3: {  	v8 =	vld [tilespmem:s28+$0xFFFFFF90]  }
0xe4: {  	v9 =	vld [tilespmem:s28+$0xFFFFFFA0]  }
0xe5: {  	v10 =	vld [tilespmem:s28+$0xFFFFFFB0]  }
0xe6: {  	s29 =	sadd.s32 $0x2, s29;
	v12 =	vld [tilespmem:s28+$0xFFFFFFC0]  }
0xe7: {  	p0 =	slt.u32 s29, $0x3E;
	v20 =	vld [tilespmem:s28+$0xFFFFFFF0]  }
0xe8: {  	v23 =	vld [tilespmem:s28+$0x0]  }
0xe9: {  	v24 =	vld.idx.msk [tilespmem:v17+s3+$0x0], $0xffff  }
0xea: {  	v16 =	vld.idx.msk [tilespmem:v6+s3+$0x0], $0xffff  }
0xeb: {  	v18 =	vld.idx.msk [tilespmem:v8+s3+$0x0], $0xffff  }
0xec: {  	v19 =	vld.idx.msk [tilespmem:v9+s3+$0x0], $0xffff  }
.Ltmp3:
0xed: {  	v21 =	vld.idx.msk [tilespmem:v10+s3+$0x0], $0xffff;
	(pc) =	sbr.rel @p0 .LBB2_8-.Ltmp3, $4  }
0xee: {  	v22 =	vld.idx.msk [tilespmem:v12+s3+$0x0], $0xffff  }
0xef: {  	v20 =	vld.idx.msk [tilespmem:v20+s3+$0x0], $0xffff  }
0xf0: {  	v17 =	vld.idx.msk [tilespmem:v23+s3+$0x0], $0xffff  }
0xf1: {  	v24 =	vsub.f32 v1, v24;
	v23 =	vld [tilespmem:s30+$0x30];
	s30 =	sadd.s32 $0x80, s30  }
0xf2: {  	[tilespmem:s3], [sflag:$0x1] =	stream.strided.gather [hbm4b:s10+s16], $0x18700, s17, s16, $0x38;
	[tilespmem:$0x1E780] =	vst v63  }
0xf3: {  	_ =	swait.ge [sflag:s21], $0x18700  }
0xf4: {  	[sflag:s21] =	ssyncset.done $0x0  }
0xf5: {  	[sflag:s21] =	ssyncadd.s32 $0xFFFE7900  }
0xf6: {  	[tilespmem:s22], [sflag:$0x2] =	stream.strided.gather [hbm4b:s11+s16], $0x1000, s17, s16, $0x38;
	[tilespmem:$0x1E780] =	vst v63  }
0xf7: {  	_ =	swait.ge [sflag:s23], $0x1000  }
0xf8: {  	[sflag:s23] =	ssyncset.done $0x0  }
0xf9: {  	s30 =	simm.s32 $0x18740;
	[sflag:s23] =	ssyncadd.s32 $0xFFFFF000  }
0xfa: {  	v25 =	vld [tilespmem:s30+$0x0]  }
0xfb: {  	v1 =	vld [tilespmem:s30+$0x10]  }
0xfc: {  	v6 =	vld [tilespmem:s30+$0x20]  }
0xfd: {  	v8 =	vld [tilespmem:s30+$0xFFFFFFC0]  }
0xfe: {  	v9 =	vld [tilespmem:s30+$0xFFFFFFD0]  }
0xff: {  	v10 =	vld [tilespmem:s30+$0xFFFFFFE0]  }
0x100: {  	s28 =	simm.s32 $0x1A740;
	v12 =	vld [tilespmem:s30+$0xFFFFFFF0]  }
0x101: {  	v26 =	vld [tilespmem:s28+$0x0]  }
0x102: {  	v27 =	vld [tilespmem:s28+$0x10]  }
0x103: {  	v28 =	vld [tilespmem:s28+$0xFFFFFFC0]  }
0x104: {  	v29 =	vld [tilespmem:s28+$0xFFFFFFD0]  }
0x105: {  	v30 =	vld [tilespmem:s28+$0xFFFFFFE0]  }
0x106: {  	v31 =	vld [tilespmem:s28+$0xFFFFFFF0]  }
0x107: {  	v32 =	vld [tilespmem:s28+$0x20]  }
0x108: {  	v3 =	vsub.f32 v3, v18;
	v33 =	vld [tilespmem:s28+$0x30]  }
0x109: {  	v4 =	vsub.f32 v4, v19;
	v17 =	vsub.f32 v23, v17;
	v23 =	vld [tilespmem:s30+$0x30]  }
0x10a: {  	v0 =	vsub.f32 v0, v16;
	v5 =	vsub.f32 v5, v21;
	v26 =	vld.idx.msk [tilespmem:v26+s3+$0x0], $0xffff  }
0x10b: {  	v7 =	vsub.f32 v7, v22;
	v3 =	vmul.f32 v3, v3;
	v4 =	vmul.f32 v4, v4;
	v16 =	vld.idx.msk [tilespmem:v27+s3+$0x0], $0xffff  }
0x10c: {  	v2 =	vsub.f32 v2, v20;
	v5 =	vmul.f32 v5, v5;
	v0 =	vmul.f32 v0, v0;
	v18 =	vld.idx.msk [tilespmem:v28+s3+$0x0], $0xffff  }
0x10d: {  	v7 =	vmul.f32 v7, v7;
	v3 =	vadd.f32 v3, v14;
	v14 =	vmul.f32 v24, v24;
	v19 =	vld.idx.msk [tilespmem:v29+s3+$0x0], $0xffff  }
0x10e: {  	v4 =	vadd.f32 v4, v15;
	v5 =	vadd.f32 v5, v13;
	v2 =	vmul.f32 v2, v2;
	v21 =	vld.idx.msk [tilespmem:v30+s3+$0x0], $0xffff  }
0x10f: {  	v11 =	vadd.f32 v7, v11;
	v14 =	vadd.f32 v14, v3;
	v3 =	vmul.f32 v17, v17;
	v22 =	vld.idx.msk [tilespmem:v31+s3+$0x0], $0xffff  }
0x110: {  	v15 =	vadd.f32 v0, v4;
	v7 =	vadd.f32 v2, v5;
	v20 =	vld.idx.msk [tilespmem:v32+s3+$0x0], $0xffff  }
0x111: {  	s29 =	simm.s32 $0x0;
	v3 =	vadd.f32 v3, v11;
	s30 =	simm.s32 $0x187C0;
	v17 =	vld.idx.msk [tilespmem:v33+s3+$0x0], $0xffff;
	v24 =	vsub.f32 v25, v26  }
.LBB2_10:
0x112: {  	v0 =	vld [tilespmem:s30+$0x0];
	v2 =	vsub.f32 v8, v18;
	v4 =	vsub.f32 v1, v16  }
0x113: {  	v5 =	vsub.f32 v9, v19;
	v10 =	vsub.f32 v10, v21;
	v1 =	vld [tilespmem:s30+$0x10]  }
0x114: {  	v12 =	vsub.f32 v12, v22;
	v13 =	vmul.f32 v24, v24;
	v11 =	vld [tilespmem:s30+$0x20];
	v4 =	vmul.f32 v4, v4  }
0x115: {  	v2 =	vmul.f32 v2, v2;
	v5 =	vmul.f32 v5, v5;
	v6 =	vsub.f32 v6, v20;
	v8 =	vld [tilespmem:s30+$0xFFFFFFC0]  }
0x116: {  	v16 =	vmul.f32 v10, v10;
	v18 =	vmul.f32 v12, v12;
	v9 =	vld [tilespmem:s30+$0xFFFFFFD0];
	v17 =	vsub.f32 v23, v17  }
0x117: {  	v2 =	vadd.f32 v2, v14;
	v5 =	vadd.f32 v5, v15;
	v19 =	vmul.f32 v6, v6;
	v10 =	vld [tilespmem:s30+$0xFFFFFFE0]  }
0x118: {  	s28 =	sadd.s32 $0x80, s28;
	v7 =	vadd.f32 v16, v7;
	v3 =	vadd.f32 v18, v3;
	v12 =	vld [tilespmem:s30+$0xFFFFFFF0];
	v16 =	vmul.f32 v17, v17  }
0x119: {  	v14 =	vadd.f32 v13, v2;
	v15 =	vadd.f32 v4, v5;
	v17 =	vld [tilespmem:s28+$0x0];
	v6 =	vmov v11  }
0x11a: {  	v7 =	vadd.f32 v19, v7;
	v2 =	vld [tilespmem:s28+$0x10];
	v3 =	vadd.f32 v16, v3  }
0x11b: {  	v4 =	vld [tilespmem:s28+$0xFFFFFFC0]  }
0x11c: {  	v5 =	vld [tilespmem:s28+$0xFFFFFFD0]  }
0x11d: {  	v11 =	vld [tilespmem:s28+$0xFFFFFFE0]  }
0x11e: {  	s29 =	sadd.s32 $0x2, s29;
	v13 =	vld [tilespmem:s28+$0xFFFFFFF0]  }
0x11f: {  	p0 =	slt.u32 s29, $0x3E;
	v20 =	vld [tilespmem:s28+$0x20]  }
0x120: {  	v23 =	vld [tilespmem:s28+$0x30]  }
0x121: {  	v24 =	vld.idx.msk [tilespmem:v17+s3+$0x0], $0xffff  }
0x122: {  	v16 =	vld.idx.msk [tilespmem:v2+s3+$0x0], $0xffff  }
0x123: {  	v18 =	vld.idx.msk [tilespmem:v4+s3+$0x0], $0xffff  }
0x124: {  	v19 =	vld.idx.msk [tilespmem:v5+s3+$0x0], $0xffff  }
.Ltmp4:
0x125: {  	v21 =	vld.idx.msk [tilespmem:v11+s3+$0x0], $0xffff;
	(pc) =	sbr.rel @p0 .LBB2_10-.Ltmp4, $4  }
0x126: {  	v22 =	vld.idx.msk [tilespmem:v13+s3+$0x0], $0xffff  }
0x127: {  	v20 =	vld.idx.msk [tilespmem:v20+s3+$0x0], $0xffff  }
0x128: {  	v17 =	vld.idx.msk [tilespmem:v23+s3+$0x0], $0xffff  }
0x129: {  	v24 =	vsub.f32 v0, v24;
	v23 =	vld [tilespmem:s30+$0x30];
	s30 =	sadd.s32 $0x80, s30  }
0x12a: {  	[tilespmem:s19], [sflag:$0x2] =	stream.strided.gather [hbm4b:s12+s16], $0x1000, s17, s16, $0x38;
	[tilespmem:$0x1E780] =	vst v63  }
0x12b: {  	_ =	swait.ge [sflag:s23], $0x1000  }
0x12c: {  	[sflag:s23] =	ssyncset.done $0x0  }
0x12d: {  	s30 =	simm.s32 $0x19740;
	[sflag:s23] =	ssyncadd.s32 $0xFFFFF000  }
0x12e: {  	v25 =	vld [tilespmem:s30+$0x0]  }
0x12f: {  	v0 =	vld [tilespmem:s30+$0x10]  }
0x130: {  	v2 =	vld [tilespmem:s30+$0x20]  }
0x131: {  	v4 =	vld [tilespmem:s30+$0xFFFFFFC0]  }
0x132: {  	v5 =	vld [tilespmem:s30+$0xFFFFFFD0]  }
0x133: {  	v11 =	vld [tilespmem:s30+$0xFFFFFFE0]  }
0x134: {  	s28 =	simm.s32 $0x1B770;
	v13 =	vld [tilespmem:s30+$0xFFFFFFF0]  }
0x135: {  	v26 =	vld [tilespmem:s28+$0xFFFFFFD0]  }
0x136: {  	v27 =	vld [tilespmem:s28+$0xFFFFFFE0]  }
0x137: {  	v28 =	vld [tilespmem:s28+$0xFFFFFF90]  }
0x138: {  	v29 =	vld [tilespmem:s28+$0xFFFFFFA0]  }
0x139: {  	v30 =	vld [tilespmem:s28+$0xFFFFFFB0]  }
0x13a: {  	v31 =	vld [tilespmem:s28+$0xFFFFFFC0]  }
0x13b: {  	v32 =	vld [tilespmem:s28+$0xFFFFFFF0]  }
0x13c: {  	v8 =	vsub.f32 v8, v18;
	v33 =	vld [tilespmem:s28+$0x0]  }
0x13d: {  	v9 =	vsub.f32 v9, v19;
	v17 =	vsub.f32 v23, v17;
	v23 =	vld [tilespmem:s30+$0x30]  }
0x13e: {  	v1 =	vsub.f32 v1, v16;
	v10 =	vsub.f32 v10, v21;
	v26 =	vld.idx.msk [tilespmem:v26+s3+$0x0], $0xffff  }
0x13f: {  	v12 =	vsub.f32 v12, v22;
	v8 =	vmul.f32 v8, v8;
	v9 =	vmul.f32 v9, v9;
	v16 =	vld.idx.msk [tilespmem:v27+s3+$0x0], $0xffff  }
0x140: {  	v6 =	vsub.f32 v6, v20;
	v10 =	vmul.f32 v10, v10;
	v1 =	vmul.f32 v1, v1;
	v18 =	vld.idx.msk [tilespmem:v28+s3+$0x0], $0xffff  }
0x141: {  	v12 =	vmul.f32 v12, v12;
	v8 =	vadd.f32 v8, v14;
	v14 =	vmul.f32 v24, v24;
	v19 =	vld.idx.msk [tilespmem:v29+s3+$0x0], $0xffff  }
0x142: {  	v9 =	vadd.f32 v9, v15;
	v7 =	vadd.f32 v10, v7;
	v6 =	vmul.f32 v6, v6;
	v21 =	vld.idx.msk [tilespmem:v30+s3+$0x0], $0xffff  }
0x143: {  	v3 =	vadd.f32 v12, v3;
	v14 =	vadd.f32 v14, v8;
	v8 =	vmul.f32 v17, v17;
	v22 =	vld.idx.msk [tilespmem:v31+s3+$0x0], $0xffff  }
0x144: {  	v15 =	vadd.f32 v1, v9;
	v12 =	vadd.f32 v6, v7;
	v20 =	vld.idx.msk [tilespmem:v32+s3+$0x0], $0xffff  }
0x145: {  	s29 =	simm.s32 $0x0;
	s30 =	simm.s32 $0x197C0;
	v10 =	vadd.f32 v8, v3;
	v17 =	vld.idx.msk [tilespmem:v33+s3+$0x0], $0xffff;
	v24 =	vsub.f32 v25, v26  }
.LBB2_12:
0x146: {  	v1 =	vld [tilespmem:s30+$0x0];
	v3 =	vsub.f32 v4, v18;
	v4 =	vsub.f32 v0, v16  }
0x147: {  	v5 =	vsub.f32 v5, v19;
	v6 =	vsub.f32 v11, v21;
	v0 =	vld [tilespmem:s30+$0x10]  }
0x148: {  	v8 =	vsub.f32 v13, v22;
	v9 =	vmul.f32 v24, v24;
	v7 =	vld [tilespmem:s30+$0x20];
	v16 =	vmul.f32 v4, v4  }
0x149: {  	v3 =	vmul.f32 v3, v3;
	v13 =	vmul.f32 v5, v5;
	v2 =	vsub.f32 v2, v20;
	v4 =	vld [tilespmem:s30+$0xFFFFFFC0]  }
0x14a: {  	v6 =	vmul.f32 v6, v6;
	v8 =	vmul.f32 v8, v8;
	v5 =	vld [tilespmem:s30+$0xFFFFFFD0];
	v17 =	vsub.f32 v23, v17  }
0x14b: {  	v3 =	vadd.f32 v3, v14;
	v15 =	vadd.f32 v13, v15;
	v18 =	vmul.f32 v2, v2;
	v11 =	vld [tilespmem:s30+$0xFFFFFFE0]  }
0x14c: {  	s28 =	sadd.s32 $0x80, s28;
	v6 =	vadd.f32 v6, v12;
	v8 =	vadd.f32 v8, v10;
	v13 =	vld [tilespmem:s30+$0xFFFFFFF0];
	v10 =	vmul.f32 v17, v17  }
0x14d: {  	v14 =	vadd.f32 v9, v3;
	v15 =	vadd.f32 v16, v15;
	v17 =	vld [tilespmem:s28+$0xFFFFFFD0];
	v2 =	vmov v7  }
0x14e: {  	v12 =	vadd.f32 v18, v6;
	v3 =	vld [tilespmem:s28+$0xFFFFFFE0];
	v10 =	vadd.f32 v10, v8  }
0x14f: {  	v6 =	vld [tilespmem:s28+$0xFFFFFF90]  }
0x150: {  	v7 =	vld [tilespmem:s28+$0xFFFFFFA0]  }
0x151: {  	v8 =	vld [tilespmem:s28+$0xFFFFFFB0]  }
0x152: {  	s29 =	sadd.s32 $0x2, s29;
	v9 =	vld [tilespmem:s28+$0xFFFFFFC0]  }
0x153: {  	p0 =	slt.u32 s29, $0x3E;
	v20 =	vld [tilespmem:s28+$0xFFFFFFF0]  }
0x154: {  	v23 =	vld [tilespmem:s28+$0x0]  }
0x155: {  	v24 =	vld.idx.msk [tilespmem:v17+s3+$0x0], $0xffff  }
0x156: {  	v16 =	vld.idx.msk [tilespmem:v3+s3+$0x0], $0xffff  }
0x157: {  	v18 =	vld.idx.msk [tilespmem:v6+s3+$0x0], $0xffff  }
0x158: {  	v19 =	vld.idx.msk [tilespmem:v7+s3+$0x0], $0xffff  }
.Ltmp5:
0x159: {  	v21 =	vld.idx.msk [tilespmem:v8+s3+$0x0], $0xffff;
	(pc) =	sbr.rel @p0 .LBB2_12-.Ltmp5, $4  }
0x15a: {  	v22 =	vld.idx.msk [tilespmem:v9+s3+$0x0], $0xffff  }
0x15b: {  	v20 =	vld.idx.msk [tilespmem:v20+s3+$0x0], $0xffff  }
0x15c: {  	v17 =	vld.idx.msk [tilespmem:v23+s3+$0x0], $0xffff  }
0x15d: {  	v24 =	vsub.f32 v1, v24;
	v23 =	vld [tilespmem:s30+$0x30];
	s30 =	sadd.s32 $0x80, s30  }
0x15e: {  	[tilespmem:s22], [sflag:$0x2] =	stream.strided.gather [hbm4b:s13+s16], $0x1000, s17, s16, $0x38;
	[tilespmem:$0x1E780] =	vst v63  }
0x15f: {  	_ =	swait.ge [sflag:s23], $0x1000  }
0x160: {  	[sflag:s23] =	ssyncset.done $0x0  }
0x161: {  	s30 =	simm.s32 $0x18740;
	[sflag:s23] =	ssyncadd.s32 $0xFFFFF000  }
0x162: {  	v25 =	vld [tilespmem:s30+$0x0]  }
0x163: {  	v1 =	vld [tilespmem:s30+$0x10]  }
0x164: {  	v3 =	vld [tilespmem:s30+$0x20]  }
0x165: {  	v6 =	vld [tilespmem:s30+$0xFFFFFFC0]  }
0x166: {  	v7 =	vld [tilespmem:s30+$0xFFFFFFD0]  }
0x167: {  	v8 =	vld [tilespmem:s30+$0xFFFFFFE0]  }
0x168: {  	s28 =	simm.s32 $0x1C770;
	v9 =	vld [tilespmem:s30+$0xFFFFFFF0]  }
0x169: {  	v26 =	vld [tilespmem:s28+$0xFFFFFFD0]  }
0x16a: {  	v27 =	vld [tilespmem:s28+$0xFFFFFFE0]  }
0x16b: {  	v28 =	vld [tilespmem:s28+$0xFFFFFF90]  }
0x16c: {  	v29 =	vld [tilespmem:s28+$0xFFFFFFA0]  }
0x16d: {  	v30 =	vld [tilespmem:s28+$0xFFFFFFB0]  }
0x16e: {  	v31 =	vld [tilespmem:s28+$0xFFFFFFC0]  }
0x16f: {  	v32 =	vld [tilespmem:s28+$0xFFFFFFF0]  }
0x170: {  	v4 =	vsub.f32 v4, v18;
	v33 =	vld [tilespmem:s28+$0x0]  }
0x171: {  	v5 =	vsub.f32 v5, v19;
	v17 =	vsub.f32 v23, v17;
	v23 =	vld [tilespmem:s30+$0x30]  }
0x172: {  	v0 =	vsub.f32 v0, v16;
	v11 =	vsub.f32 v11, v21;
	v26 =	vld.idx.msk [tilespmem:v26+s3+$0x0], $0xffff  }
0x173: {  	v13 =	vsub.f32 v13, v22;
	v4 =	vmul.f32 v4, v4;
	v5 =	vmul.f32 v5, v5;
	v16 =	vld.idx.msk [tilespmem:v27+s3+$0x0], $0xffff  }
0x174: {  	v2 =	vsub.f32 v2, v20;
	v11 =	vmul.f32 v11, v11;
	v0 =	vmul.f32 v0, v0;
	v18 =	vld.idx.msk [tilespmem:v28+s3+$0x0], $0xffff  }
0x175: {  	v13 =	vmul.f32 v13, v13;
	v4 =	vadd.f32 v4, v14;
	v14 =	vmul.f32 v24, v24;
	v19 =	vld.idx.msk [tilespmem:v29+s3+$0x0], $0xffff  }
0x176: {  	v5 =	vadd.f32 v5, v15;
	v11 =	vadd.f32 v11, v12;
	v2 =	vmul.f32 v2, v2;
	v21 =	vld.idx.msk [tilespmem:v30+s3+$0x0], $0xffff  }
0x177: {  	v10 =	vadd.f32 v13, v10;
	v12 =	vadd.f32 v14, v4;
	v4 =	vmul.f32 v17, v17;
	v22 =	vld.idx.msk [tilespmem:v31+s3+$0x0], $0xffff  }
0x178: {  	v13 =	vadd.f32 v0, v5;
	v11 =	vadd.f32 v2, v11;
	v20 =	vld.idx.msk [tilespmem:v32+s3+$0x0], $0xffff  }
0x179: {  	s29 =	simm.s32 $0x0;
	s30 =	simm.s32 $0x187C0;
	v4 =	vadd.f32 v4, v10;
	v17 =	vld.idx.msk [tilespmem:v33+s3+$0x0], $0xffff;
	v24 =	vsub.f32 v25, v26  }
.LBB2_14:
0x17a: {  	v0 =	vld [tilespmem:s30+$0x0];
	v2 =	vsub.f32 v6, v18;
	v5 =	vsub.f32 v1, v16  }
0x17b: {  	v7 =	vsub.f32 v7, v19;
	v8 =	vsub.f32 v8, v21;
	v1 =	vld [tilespmem:s30+$0x10]  }
0x17c: {  	v9 =	vsub.f32 v9, v22;
	v14 =	vmul.f32 v24, v24;
	v10 =	vld [tilespmem:s30+$0x20];
	v5 =	vmul.f32 v5, v5  }
0x17d: {  	v2 =	vmul.f32 v2, v2;
	v15 =	vmul.f32 v7, v7;
	v3 =	vsub.f32 v3, v20;
	v6 =	vld [tilespmem:s30+$0xFFFFFFC0]  }
0x17e: {  	v16 =	vmul.f32 v8, v8;
	v18 =	vmul.f32 v9, v9;
	v7 =	vld [tilespmem:s30+$0xFFFFFFD0];
	v17 =	vsub.f32 v23, v17  }
0x17f: {  	v2 =	vadd.f32 v2, v12;
	v13 =	vadd.f32 v15, v13;
	v15 =	vmul.f32 v3, v3;
	v8 =	vld [tilespmem:s30+$0xFFFFFFE0]  }
0x180: {  	s28 =	sadd.s32 $0x80, s28;
	v11 =	vadd.f32 v16, v11;
	v4 =	vadd.f32 v18, v4;
	v9 =	vld [tilespmem:s30+$0xFFFFFFF0];
	v16 =	vmul.f32 v17, v17  }
0x181: {  	v12 =	vadd.f32 v14, v2;
	v13 =	vadd.f32 v5, v13;
	v17 =	vld [tilespmem:s28+$0xFFFFFFD0];
	v3 =	vmov v10  }
0x182: {  	v11 =	vadd.f32 v15, v11;
	v2 =	vld [tilespmem:s28+$0xFFFFFFE0];
	v4 =	vadd.f32 v16, v4  }
0x183: {  	v5 =	vld [tilespmem:s28+$0xFFFFFF90]  }
0x184: {  	v10 =	vld [tilespmem:s28+$0xFFFFFFA0]  }
0x185: {  	v14 =	vld [tilespmem:s28+$0xFFFFFFB0]  }
0x186: {  	s29 =	sadd.s32 $0x2, s29;
	v15 =	vld [tilespmem:s28+$0xFFFFFFC0]  }
0x187: {  	p0 =	slt.u32 s29, $0x3E;
	v20 =	vld [tilespmem:s28+$0xFFFFFFF0]  }
0x188: {  	v23 =	vld [tilespmem:s28+$0x0]  }
0x189: {  	v24 =	vld.idx.msk [tilespmem:v17+s3+$0x0], $0xffff  }
0x18a: {  	v16 =	vld.idx.msk [tilespmem:v2+s3+$0x0], $0xffff  }
0x18b: {  	v18 =	vld.idx.msk [tilespmem:v5+s3+$0x0], $0xffff  }
0x18c: {  	v19 =	vld.idx.msk [tilespmem:v10+s3+$0x0], $0xffff  }
.Ltmp6:
0x18d: {  	v21 =	vld.idx.msk [tilespmem:v14+s3+$0x0], $0xffff;
	(pc) =	sbr.rel @p0 .LBB2_14-.Ltmp6, $4  }
0x18e: {  	v22 =	vld.idx.msk [tilespmem:v15+s3+$0x0], $0xffff  }
0x18f: {  	v20 =	vld.idx.msk [tilespmem:v20+s3+$0x0], $0xffff  }
0x190: {  	v17 =	vld.idx.msk [tilespmem:v23+s3+$0x0], $0xffff  }
0x191: {  	v24 =	vsub.f32 v0, v24;
	v23 =	vld [tilespmem:s30+$0x30];
	s30 =	sadd.s32 $0x80, s30  }
0x192: {  	_ =	swait.ge [sflag:s23], $0x1000  }
0x193: {  	[sflag:s23] =	ssyncset.done $0x0  }
0x194: {  	s30 =	simm.s32 $0x19740;
	[sflag:s23] =	ssyncadd.s32 $0xFFFFF000  }
0x195: {  	v25 =	vld [tilespmem:s30+$0x0]  }
0x196: {  	v0 =	vld [tilespmem:s30+$0x10]  }
0x197: {  	v2 =	vld [tilespmem:s30+$0x20]  }
0x198: {  	v5 =	vld [tilespmem:s30+$0xFFFFFFC0]  }
0x199: {  	v10 =	vld [tilespmem:s30+$0xFFFFFFD0]  }
0x19a: {  	v14 =	vld [tilespmem:s30+$0xFFFFFFE0]  }
0x19b: {  	s28 =	simm.s32 $0x1D770;
	v15 =	vld [tilespmem:s30+$0xFFFFFFF0]  }
0x19c: {  	v6 =	vsub.f32 v6, v18;
	v26 =	vld [tilespmem:s28+$0xFFFFFFD0]  }
0x19d: {  	v27 =	vld [tilespmem:s28+$0xFFFFFFE0]  }
0x19e: {  	v1 =	vsub.f32 v1, v16;
	v16 =	vsub.f32 v9, v22;
	v6 =	vmul.f32 v6, v6;
	v28 =	vld [tilespmem:s28+$0xFFFFFF90]  }
0x19f: {  	v62 =	vmul.f32 v24, v24;
	v3 =	vsub.f32 v3, v20;
	v29 =	vld [tilespmem:s28+$0xFFFFFFA0]  }
0x1a0: {  	v30 =	vld [tilespmem:s28+$0xFFFFFFB0];
	v16 =	vmul.f32 v16, v16;
	v20 =	vsub.f32 v23, v17;
	v6 =	vadd.f32 v6, v12  }
0x1a1: {  	v63 =	vmul.f32 v1, v1;
	v31 =	vld [tilespmem:s28+$0xFFFFFFC0]  }
0x1a2: {  	v32 =	vld [tilespmem:s28+$0xFFFFFFF0];
	v16 =	vadd.f32 v16, v4;
	v1 =	vadd.f32 v62, v6;
	v6 =	vmul.f32 v20, v20  }
0x1a3: {  	v18 =	vld [tilespmem:s28+$0x0]  }
0x1a4: {  	v6 =	vadd.f32 v6, v16;
	v16 =	vld [tilespmem:s30+$0x30]  }
0x1a5: {  	v19 =	vsub.f32 v7, v19;
	v26 =	vld.idx.msk [tilespmem:v26+s3+$0x0], $0xffff  }
0x1a6: {  	v8 =	vsub.f32 v8, v21;
	v7 =	vld.idx.msk [tilespmem:v27+s3+$0x0], $0xffff  }
0x1a7: {  	v19 =	vmul.f32 v19, v19;
	v9 =	vld.idx.msk [tilespmem:v28+s3+$0x0], $0xffff  }
0x1a8: {  	v8 =	vmul.f32 v8, v8;
	v12 =	vld.idx.msk [tilespmem:v29+s3+$0x0], $0xffff  }
0x1a9: {  	v19 =	vadd.f32 v19, v13;
	v13 =	vld.idx.msk [tilespmem:v30+s3+$0x0], $0xffff  }
0x1aa: {  	v8 =	vadd.f32 v8, v11;
	v3 =	vmul.f32 v3, v3;
	v17 =	vld.idx.msk [tilespmem:v31+s3+$0x0], $0xffff  }
0x1ab: {  	v4 =	vadd.f32 v63, v19;
	v11 =	vld.idx.msk [tilespmem:v32+s3+$0x0], $0xffff  }
0x1ac: {  	s29 =	simm.s32 $0x0;
	v3 =	vadd.f32 v3, v8;
	s30 =	simm.s32 $0x197C0;
	v8 =	vld.idx.msk [tilespmem:v18+s3+$0x0], $0xffff;
	v18 =	vsub.f32 v25, v26  }
.LBB2_16:
0x1ad: {  	v19 =	vld [tilespmem:s30+$0x0];
	v9 =	vsub.f32 v5, v9;
	v5 =	vsub.f32 v0, v7  }
0x1ae: {  	v7 =	vsub.f32 v10, v12;
	v12 =	vsub.f32 v14, v13;
	v0 =	vld [tilespmem:s30+$0x10]  }
0x1af: {  	v14 =	vsub.f32 v15, v17;
	v17 =	vmul.f32 v18, v18;
	v13 =	vld [tilespmem:s30+$0x20];
	v18 =	vmul.f32 v5, v5  }
0x1b0: {  	v9 =	vmul.f32 v9, v9;
	v7 =	vmul.f32 v7, v7;
	v2 =	vsub.f32 v2, v11;
	v5 =	vld [tilespmem:s30+$0xFFFFFFC0]  }
0x1b1: {  	v11 =	vmul.f32 v12, v12;
	v12 =	vmul.f32 v14, v14;
	v10 =	vld [tilespmem:s30+$0xFFFFFFD0];
	v8 =	vsub.f32 v16, v8  }
0x1b2: {  	v1 =	vadd.f32 v9, v1;
	v4 =	vadd.f32 v7, v4;
	v7 =	vmul.f32 v2, v2;
	v14 =	vld [tilespmem:s30+$0xFFFFFFE0]  }
0x1b3: {  	s28 =	sadd.s32 $0x80, s28;
	v3 =	vadd.f32 v11, v3;
	v6 =	vadd.f32 v12, v6;
	v15 =	vld [tilespmem:s30+$0xFFFFFFF0];
	v8 =	vmul.f32 v8, v8  }
0x1b4: {  	v1 =	vadd.f32 v17, v1;
	v4 =	vadd.f32 v18, v4;
	v9 =	vld [tilespmem:s28+$0xFFFFFFD0];
	v2 =	vmov v13  }
0x1b5: {  	v3 =	vadd.f32 v7, v3;
	v11 =	vld [tilespmem:s28+$0xFFFFFFE0];
	v6 =	vadd.f32 v8, v6  }
0x1b6: {  	v8 =	vld [tilespmem:s28+$0xFFFFFF90]  }
0x1b7: {  	v12 =	vld [tilespmem:s28+$0xFFFFFFA0]  }
0x1b8: {  	v13 =	vld [tilespmem:s28+$0xFFFFFFB0]  }
0x1b9: {  	s29 =	sadd.s32 $0x2, s29;
	v16 =	vld [tilespmem:s28+$0xFFFFFFC0]  }
0x1ba: {  	p0 =	slt.u32 s29, $0x3E;
	v18 =	vld [tilespmem:s28+$0xFFFFFFF0]  }
0x1bb: {  	v20 =	vld [tilespmem:s28+$0x0]  }
0x1bc: {  	v21 =	vld.idx.msk [tilespmem:v9+s3+$0x0], $0xffff  }
0x1bd: {  	v7 =	vld.idx.msk [tilespmem:v11+s3+$0x0], $0xffff  }
0x1be: {  	v9 =	vld.idx.msk [tilespmem:v8+s3+$0x0], $0xffff  }
0x1bf: {  	v12 =	vld.idx.msk [tilespmem:v12+s3+$0x0], $0xffff  }
.Ltmp7:
0x1c0: {  	v13 =	vld.idx.msk [tilespmem:v13+s3+$0x0], $0xffff;
	(pc) =	sbr.rel @p0 .LBB2_16-.Ltmp7, $4  }
0x1c1: {  	v17 =	vld.idx.msk [tilespmem:v16+s3+$0x0], $0xffff  }
0x1c2: {  	v11 =	vld.idx.msk [tilespmem:v18+s3+$0x0], $0xffff  }
0x1c3: {  	v8 =	vld.idx.msk [tilespmem:v20+s3+$0x0], $0xffff  }
0x1c4: {  	v18 =	vsub.f32 v19, v21;
	v16 =	vld [tilespmem:s30+$0x30];
	s30 =	sadd.s32 $0x80, s30  }
0x1c5: {  	v5 =	vsub.f32 v5, v9;
	v0 =	vsub.f32 v0, v7  }
0x1c6: {  	v56 =	vsub.f32 v10, v12;
	v57 =	vsub.f32 v14, v13  }
0x1c7: {  	v58 =	vsub.f32 v15, v17;
	v59 =	vmul.f32 v18, v18;
	v0 =	vmul.f32 v0, v0  }
0x1c8: {  	v5 =	vmul.f32 v5, v5;
	v7 =	vmul.f32 v56, v56;
	v2 =	vsub.f32 v2, v11  }
0x1c9: {  	v9 =	vmul.f32 v57, v57;
	v10 =	vmul.f32 v58, v58;
	v8 =	vsub.f32 v16, v8  }
0x1ca: {  	v1 =	vadd.f32 v5, v1;
	v4 =	vadd.f32 v7, v4;
	v2 =	vmul.f32 v2, v2  }
0x1cb: {  	v3 =	vadd.f32 v9, v3;
	v60 =	vadd.f32 v10, v6;
	v61 =	vmul.f32 v8, v8  }
0x1cc: {  	v1 =	vadd.f32 v59, v1;
	v0 =	vadd.f32 v0, v4  }
0x1cd: {  	v2 =	vadd.f32 v2, v3;
	v62 =	vadd.f32 v61, v60;
	_ =	sdelay $0x1  }
0x1ce: {  	v0 =	vadd.f32 v0, v1;
	v63 =	vadd.f32 v62, v2;
	_ =	sdelay $0x1  }
0x1cf: {  	s26 =	sadd.s32 $0x1, s26;
	v0 =	vadd.f32 v63, v0  }
0x1d0: {  	p0 =	sne.s32 s26, s15  }
.Ltmp8:
0x1d1: {  	[tilespmem:$0x1E700] =	vst v0;
	(pc) =	sbr.rel @p0 .LBB2_1-.Ltmp8, $4  }
0x1d2: {  	[hbm4b:s14+s3] =	stream.linear.scatter [tilespmem:s24], [sflag:$0x4], $0x10, $0x38;
	[tilespmem:$0x1E780] =	vst v63  }
0x1d3: {  	_ =	swait.ge [sflag:s25], $0x10  }
0x1d4: {  	[sflag:s25] =	ssyncset.done $0x0  }
0x1d5: {  	[sflag:s25] =	ssyncadd.s32 $0xFFFFFFF0  }
0x1d6: {  	_ =	sfence.sel $0x180000  }
0x1d7: {  	[bflag:$0x0] =	sbarrier.arrive $0xFFFF  }
0x1d8: {  	p0 =	sne.s32 s1, $0x0;
	_ =	strace $0x90000047  }
0x1d9: {  	s0 =	sadd.s32 @!p0 $0x100000, s0;
	[bflag:$0x2] =	sbarrier.arrive $0xFFFF  }
0x1da: {  	[sflag:s0] =	ssyncadd.tile.s32 @!p0 $0x1;
	_ =	shalt  }
.Lfunc_end2:
_tile_overlayer_lowered:
.L_overlay_start_2:
0x1db: {  	(tag) =	ssettag $0x2  }
0x1dc: {  	s0 =	rddreg [dreg:$0x0];
	s2 =	stileid.u32  }
0x1dd: {  	s1 =	rddreg [dreg:$0x1];
	p0 =	sne.s32 s2, $0x0  }
0x1de: {  	s3 =	rddreg [dreg:$0x2];
	[bflag:$0x3] =	sbarrier.arrive $0xFFFF;
	s2 =	simm.s32 @!p0 $0x1C04  }
0x1df: {  	[timem:s3], [sflag:s2] =	dma.local @!p0 [hbm:s0], s1  }
0x1e0: {  	s0 =	simm.s32 @!p0 $0x4  }
0x1e1: {  	_ =	swait.ge @!p0 [sflag:s0], s1  }
0x1e2: {  	s1 =	ssub.s32 @!p0 $0x0, s1;
	[sflag:s0] =	ssyncset.done @!p0 $0x0  }
0x1e3: {  	[sflag:s0] =	ssyncadd.s32 @!p0 s1  }
0x1e4: {  	[bflag:$0x3] =	sbarrier.arrive $0xFFFF  }
0x1e5: {  	_ =	shalt  }

</sc_bundles>
